<compile_context>
chip_gen: v7x
topology: tpu7x:2x2x1
jax: 0.10.2.dev20260603
libtpu: 0.0.44.dev20260713+nightly
codegen_flags: <defaults>
</compile_context>

<pallas_src>
import functools

import jax
import jax.numpy as jnp
from jax import lax
from jax.experimental import pallas as pl
from jax.experimental.pallas import tpu as pltpu
from jax.experimental.pallas import tpu_sc as plsc

N_NODES = 10000
N_PAD = 10240
CHUNK = 128
NW = 32
E_EDGES = 320000
CPW = 80
N_CHUNKS = CPW * NW
E_PAD = N_CHUNKS * CHUNK
ROWS_PER_TILE = N_PAD // 16

def _mesh():
    return plsc.VectorSubcoreMesh(core_axis_name="c", subcore_axis_name="s")


def _zero_vmem(ref, n_rows, n16):
    z = jnp.zeros((16,), jnp.float32)

    def body(i, _):
        for j in range(n16):
            ref[i, pl.ds(j * 16, 16)] = z
        return 0

    lax.fori_loop(0, n_rows, body, 0)


def _deg_kernel(dst_hbm, out_hbm, idx_v, ones_v, zeros_v, acc_sh, sem):
    cid = lax.axis_index("c")
    sid = lax.axis_index("s")
    wid = sid * 2 + cid

    one = jnp.full((16,), 1.0, jnp.float32)
    zero = jnp.zeros((16,), jnp.float32)

    def init_body(i, _):
        ones_v[pl.ds(i * 16, 16)] = one
        return 0

    lax.fori_loop(0, CHUNK // 16, init_body, 0)

    def zero_body(i, _):
        zeros_v[pl.ds(i * 16, 16)] = zero
        return 0

    lax.fori_loop(0, ROWS_PER_TILE // 16, zero_body, 0)

    pltpu.sync_copy(zeros_v, acc_sh.at[pl.ds(sid * ROWS_PER_TILE, ROWS_PER_TILE)])
    plsc.subcore_barrier()

    def chunk_body(j, _):
        off = (wid * CPW + j) * CHUNK
        pltpu.sync_copy(dst_hbm.at[pl.ds(off, CHUNK)], idx_v)
        pltpu.sync_copy(ones_v, acc_sh.at[idx_v], add=True)
        return 0

    lax.fori_loop(0, CPW, chunk_body, 0)
    plsc.subcore_barrier()

    pltpu.sync_copy(acc_sh.at[pl.ds(sid * ROWS_PER_TILE, ROWS_PER_TILE)],
                    out_hbm.at[cid, pl.ds(sid * ROWS_PER_TILE, ROWS_PER_TILE)])


def _spmm_kernel(F, g_hbm, src_hbm, dst_hbm, out_hbm,
                 sidx_v, didx_v, rows0, rows1, acc_sh,
                 semA, semB, semI0, semI1):
    cid = lax.axis_index("c")
    sid = lax.axis_index("s")
    wid = sid * 2 + cid

    _zero_vmem(rows0, CHUNK, F // 16)
    for k in range(ROWS_PER_TILE // CHUNK):
        pltpu.sync_copy(
            rows0, acc_sh.at[pl.ds(sid * ROWS_PER_TILE + k * CHUNK, CHUNK)])

    base = wid * (CPW * CHUNK)
    pltpu.sync_copy(src_hbm.at[pl.ds(base, CPW * CHUNK)], sidx_v)
    plsc.subcore_barrier()

    def gather(j, buf, sem):
        return pltpu.async_copy(
            g_hbm.at[sidx_v.at[pl.ds(j * CHUNK, CHUNK)]], buf, sem)

    def fetch_didx(j, b, sem):
        return pltpu.async_copy(
            dst_hbm.at[pl.ds(base + j * CHUNK, CHUNK)], didx_v.at[b], sem)

    gather(0, rows0, semA)
    fetch_didx(0, 0, semI0)
    gather(1, rows1, semB)
    fetch_didx(1, 1, semI1)

    def pipe_body(i, _):
        j0 = 2 * i
        pltpu.make_async_copy(g_hbm.at[sidx_v.at[pl.ds(0, CHUNK)]], rows0,
                              semA).wait()
        pltpu.make_async_copy(dst_hbm.at[pl.ds(0, CHUNK)], didx_v.at[0],
                              semI0).wait()
        pltpu.sync_copy(rows0, acc_sh.at[didx_v.at[0]], add=True)

        @pl.when(j0 + 2 < CPW)
        def _():
            gather(j0 + 2, rows0, semA)
            fetch_didx(j0 + 2, 0, semI0)

        pltpu.make_async_copy(g_hbm.at[sidx_v.at[pl.ds(0, CHUNK)]], rows1,
                              semB).wait()
        pltpu.make_async_copy(dst_hbm.at[pl.ds(0, CHUNK)], didx_v.at[1],
                              semI1).wait()
        pltpu.sync_copy(rows1, acc_sh.at[didx_v.at[1]], add=True)

        @pl.when(j0 + 3 < CPW)
        def _():
            gather(j0 + 3, rows1, semB)
            fetch_didx(j0 + 3, 1, semI1)

        return 0

    lax.fori_loop(0, CPW // 2, pipe_body, 0)
    plsc.subcore_barrier()

    pltpu.sync_copy(acc_sh.at[pl.ds(sid * ROWS_PER_TILE, ROWS_PER_TILE)],
                    out_hbm.at[cid, pl.ds(sid * ROWS_PER_TILE, ROWS_PER_TILE)])


def _make_deg():
    return pl.kernel(
        _deg_kernel,
        mesh=_mesh(),
        out_type=jax.ShapeDtypeStruct((2, N_PAD), jnp.float32),
        scratch_types=[
            pltpu.VMEM((CHUNK,), jnp.int32),
            pltpu.VMEM((CHUNK,), jnp.float32),
            pltpu.VMEM((ROWS_PER_TILE,), jnp.float32),
            pltpu.VMEM_SHARED((N_PAD,), jnp.float32),
            pltpu.SemaphoreType.DMA,
        ],
    )


def _make_spmm(F):
    return pl.kernel(
        functools.partial(_spmm_kernel, F),
        mesh=_mesh(),
        out_type=jax.ShapeDtypeStruct((2, N_PAD, F), jnp.float32),
        scratch_types=[
            pltpu.VMEM((CPW * CHUNK,), jnp.int32),
            pltpu.VMEM((2, CHUNK), jnp.int32),
            pltpu.VMEM((CHUNK, F), jnp.float32),
            pltpu.VMEM((CHUNK, F), jnp.float32),
            pltpu.VMEM_SHARED((N_PAD, F), jnp.float32),
            pltpu.SemaphoreType.DMA,
            pltpu.SemaphoreType.DMA,
            pltpu.SemaphoreType.DMA,
            pltpu.SemaphoreType.DMA,
        ],
    )



M_BLK = 1000
GRID = N_NODES // M_BLK


def _layer1_body(x_ref, a_ref, w_ref, deg_ref, g_ref, dinv_ref):
    xv = x_ref[...]
    av = a_ref[...]
    d = xv - av
    h = (jnp.dot(d, w_ref[0:128, :], preferred_element_type=jnp.float32)
         + jnp.dot(av, w_ref[128:256, :], preferred_element_type=jnp.float32))
    deg = deg_ref[0] + deg_ref[1] + 1.0
    dinv = lax.rsqrt(deg)
    dinv_ref[...] = dinv
    g_ref[...] = h * dinv


def _layer2_body(s_ref, g_ref, dinv_ref, b_ref, w_ref, g2_ref):
    s = s_ref[0] + s_ref[1]
    dinv = dinv_ref[...]
    pre = (s + g_ref[...]) * dinv + b_ref[...]
    z = jnp.maximum(pre, 0.0)
    h2 = jnp.dot(z, w_ref[...], preferred_element_type=jnp.float32)
    g2_ref[...] = jnp.concatenate(
        [h2 * dinv, jnp.zeros((h2.shape[0], 64), jnp.float32)], axis=1)


def _final_body(s_ref, g_ref, dinv_ref, b_ref, out_ref):
    s = s_ref[0] + s_ref[1]
    tot = (s + g_ref[...])[:, 0:64]
    out_ref[...] = tot * dinv_ref[...] + b_ref[...]


def kernel(x, edge_index, labels, inferenz_anchors, W1, b1, W2, b2):
    src = edge_index[0].astype(jnp.int32)
    dst = edge_index[1].astype(jnp.int32)
    pad = E_PAD - src.shape[0]
    src = jnp.concatenate([src, jnp.zeros((pad,), jnp.int32)])
    dst = jnp.concatenate([dst, jnp.full((pad,), N_NODES, jnp.int32)])

    deg_parts = _make_deg()(dst)
    deg3 = deg_parts.reshape(2, N_PAD, 1)

    g1, dinv = pl.pallas_call(
        _layer1_body,
        grid=(GRID,),
        in_specs=[
            pl.BlockSpec((M_BLK, 128), lambda m: (m, 0)),
            pl.BlockSpec((M_BLK, 128), lambda m: (m, 0)),
            pl.BlockSpec((256, 128), lambda m: (0, 0)),
            pl.BlockSpec((2, M_BLK, 1), lambda m: (0, m, 0)),
        ],
        out_specs=[
            pl.BlockSpec((M_BLK, 128), lambda m: (m, 0)),
            pl.BlockSpec((M_BLK, 1), lambda m: (m, 0)),
        ],
        out_shape=[
            jax.ShapeDtypeStruct((N_NODES, 128), jnp.float32),
            jax.ShapeDtypeStruct((N_NODES, 1), jnp.float32),
        ],
    )(x, inferenz_anchors, W1, deg3)

    s1 = _make_spmm(128)(g1, src, dst)

    g2 = pl.pallas_call(
        _layer2_body,
        grid=(GRID,),
        in_specs=[
            pl.BlockSpec((2, M_BLK, 128), lambda m: (0, m, 0)),
            pl.BlockSpec((M_BLK, 128), lambda m: (m, 0)),
            pl.BlockSpec((M_BLK, 1), lambda m: (m, 0)),
            pl.BlockSpec((1, 128), lambda m: (0, 0)),
            pl.BlockSpec((128, 64), lambda m: (0, 0)),
        ],
        out_specs=pl.BlockSpec((M_BLK, 128), lambda m: (m, 0)),
        out_shape=jax.ShapeDtypeStruct((N_NODES, 128), jnp.float32),
    )(s1, g1, dinv, b1.reshape(1, 128), W2)

    s2 = _make_spmm(128)(g2, src, dst)

    out = pl.pallas_call(
        _final_body,
        grid=(GRID,),
        in_specs=[
            pl.BlockSpec((2, M_BLK, 128), lambda m: (0, m, 0)),
            pl.BlockSpec((M_BLK, 128), lambda m: (m, 0)),
            pl.BlockSpec((M_BLK, 1), lambda m: (m, 0)),
            pl.BlockSpec((1, 64), lambda m: (0, 0)),
        ],
        out_specs=pl.BlockSpec((M_BLK, 64), lambda m: (m, 0)),
        out_shape=jax.ShapeDtypeStruct((N_NODES, 64), jnp.float32),
    )(s2, g2, dinv, b2.reshape(1, 64))

    return out

# --- scband reference (transcript-rebuilt; emitter-appended) ---
"""Pipeline reference for scband-gcn-class-based-feature-anchored-29643864277070 (READ-ONLY COPY).

The authoritative reference and input builder live on the scoring server;
editing this copy changes nothing except your own understanding.
"""

import jax, jax.numpy as jnp
import numpy as np

N_NODES = 10000


def gcn_conv(x, edge_index, W, b):
    n = x.shape[0]
    src = edge_index[0]
    dst = edge_index[1]
    # add self-loops (PyG GCNConv default)
    loop = jnp.arange(n, dtype=edge_index.dtype)
    src = jnp.concatenate([src, loop])
    dst = jnp.concatenate([dst, loop])
    # symmetric normalization deg^{-1/2} A_hat deg^{-1/2}
    deg = jnp.zeros((n,), dtype=x.dtype).at[dst].add(1.0)
    dinv = jnp.where(deg > 0, jax.lax.rsqrt(deg), 0.0)
    norm = dinv[src] * dinv[dst]
    h = x @ W
    msg = h[src] * norm[:, None]
    out = jnp.zeros((n, W.shape[1]), dtype=x.dtype).at[dst].add(msg)
    return out + b


def setup_inputs(seed: int = 0) -> dict:
    key = jax.random.key(seed)
    k1, k2, k3, k4, k5, k6, k7, k8 = jax.random.split(key, 8)
    in_ch, hid_ch, out_ch = 128, 128, 64
    x = jax.random.normal(k1, (N_NODES, in_ch), dtype=jnp.float32)
    edge_index = jax.random.randint(k2, (2, 320000), 0, N_NODES, dtype=jnp.int64)
    labels = jax.random.randint(k3, (N_NODES,), 0, 64, dtype=jnp.int64)
    inferenz_anchors = jax.random.normal(k4, (N_NODES, in_ch), dtype=jnp.float32)
    # conv1: in 2*in_ch -> hid_ch ; conv2: hid_ch -> out_ch
    W1 = jax.random.normal(k5, (2 * in_ch, hid_ch), dtype=jnp.float32) * (1.0 / np.sqrt(2 * in_ch))
    b1 = jnp.zeros((hid_ch,), dtype=jnp.float32)
    W2 = jax.random.normal(k6, (hid_ch, out_ch), dtype=jnp.float32) * (1.0 / np.sqrt(hid_ch))
    b2 = jnp.zeros((out_ch,), dtype=jnp.float32)
    return {"x": x, "edge_index": edge_index, "labels": labels,
            "inferenz_anchors": inferenz_anchors, "W1": W1, "b1": b1,
            "W2": W2, "b2": b2}


def reference(x, edge_index, labels, inferenz_anchors, W1, b1, W2, b2):
    # inferenz_anchors provided -> sample_class_anchors is skipped
    anchors = inferenz_anchors
    h = jnp.concatenate([x - anchors, anchors], axis=1)
    h = gcn_conv(h, edge_index, W1, b1)
    h = jax.nn.relu(h)
    # dropout=False -> no dropout
    out = gcn_conv(h, edge_index, W2, b2)
    return out

if __name__ == "__main__":
    import jax
    _d = setup_inputs()
    print(jax.jit(kernel)(*tuple(_d.values())))

</pallas_src>

<mosaic_0001>
#map = affine_map<(d0, d1) -> (0)>
#map1 = affine_map<(d0, d1) -> (0, 0)>
module attributes {stable_mosaic.version = 14 : i64} {
  func.func @_deg_kernel(%arg0: i32, %arg1: i32, %arg2: memref<327680xi32, #tpu.memory_space<hbm>>, %arg3: memref<2x10240xf32, #tpu.memory_space<hbm>>, %arg4: memref<128xi32, #tpu.memory_space<vmem>>, %arg5: memref<128xf32, #tpu.memory_space<vmem>>, %arg6: memref<640xf32, #tpu.memory_space<vmem>>, %arg7: memref<10240xf32, #tpu.memory_space<vmem_shared>>, %arg8: memref<!tpu.dma_semaphore, #tpu.memory_space<semaphore_mem>>) attributes {dimension_semantics = [#tpu.dimension_semantics<core_parallel>, #tpu.dimension_semantics<subcore_parallel>], iteration_bounds = array<i64: 2, 16>, scalar_prefetch = 0 : i64, scratch_operands = 5 : i64, tpu.core_type = #tpu.core_type<sc_vector_subcore>, window_params = [{transform_indices = #map}, {transform_indices = #map1}]} {
    %mul3A = arith.constant 2 : i32
    %mul3A_0 = arith.muli %arg1, %mul3A : i32
    %add3A = arith.addi %mul3A_0, %arg0 : i32
    %broadcast_in_dim3A = arith.constant 1.000000e+00 : f32
    %broadcast_in_dim3A_1 = vector.broadcast %broadcast_in_dim3A : f32 to vector<16xf32>
    %broadcast_in_dim3A_2 = arith.constant 0.000000e+00 : f32
    %broadcast_in_dim3A_3 = vector.broadcast %broadcast_in_dim3A_2 : f32 to vector<16xf32>
    %scan3A = arith.constant 0 : i32
    %scan3A_4 = arith.constant 0 : i32
    %scan3A_5 = arith.constant 8 : i32
    %scan3A_6 = arith.addi %scan3A_4, %scan3A_5 : i32
    %scan3A_7 = arith.constant 1 : i32
    %scan3A_8 = scf.for %scan3A_31 = %scan3A_4 to %scan3A_6 step %scan3A_7 iter_args(%scan3A_32 = %scan3A) -> (i32)  : i32 {
      %mul3A_33 = arith.constant 16 : i32
      %mul3A_34 = arith.muli %scan3A_31, %mul3A_33 : i32
      %swap3A = arith.index_cast %mul3A_34 : i32 to index
      %swap3A_35 = tpu.vector_load %arg5[%swap3A] {strides = array<i32>} : memref<128xf32, #tpu.memory_space<vmem>>, vector<16xf32>,
      %swap3A_36 = vector.shape_cast %swap3A_35 : vector<16xf32> to vector<16xf32>
      %swap3A_37 = vector.shape_cast %broadcast_in_dim3A_1 : vector<16xf32> to vector<16xf32>
      tpu.vector_store %arg5[%swap3A], %swap3A_37 {strides = array<i32>} : memref<128xf32, #tpu.memory_space<vmem>>, vector<16xf32>,
      %scan3A_38 = arith.constant 0 : i32
      scf.yield %scan3A_38 : i32
    }
    %scan3A_9 = arith.constant 8 : i32
    %scan3A_10 = arith.constant 0 : i32
    %scan3A_11 = arith.constant 0 : i32
    %scan3A_12 = arith.constant 40 : i32
    %scan3A_13 = arith.addi %scan3A_11, %scan3A_12 : i32
    %scan3A_14 = arith.constant 1 : i32
    %scan3A_15 = scf.for %scan3A_31 = %scan3A_11 to %scan3A_13 step %scan3A_14 iter_args(%scan3A_32 = %scan3A_10) -> (i32)  : i32 {
      %mul3A_33 = arith.constant 16 : i32
      %mul3A_34 = arith.muli %scan3A_31, %mul3A_33 : i32
      %swap3A = arith.index_cast %mul3A_34 : i32 to index
      %swap3A_35 = tpu.vector_load %arg6[%swap3A] {strides = array<i32>} : memref<640xf32, #tpu.memory_space<vmem>>, vector<16xf32>,
      %swap3A_36 = vector.shape_cast %swap3A_35 : vector<16xf32> to vector<16xf32>
      %swap3A_37 = vector.shape_cast %broadcast_in_dim3A_3 : vector<16xf32> to vector<16xf32>
      tpu.vector_store %arg6[%swap3A], %swap3A_37 {strides = array<i32>} : memref<640xf32, #tpu.memory_space<vmem>>, vector<16xf32>,
      %scan3A_38 = arith.constant 0 : i32
      scf.yield %scan3A_38 : i32
    }
    %scan3A_16 = arith.constant 40 : i32
    %mul3A_17 = arith.constant 640 : i32
    %mul3A_18 = arith.muli %arg1, %mul3A_17 : i32
    "tpu.region"() ({
      %run_scoped3A = tpu.sem_alloc : memref<!tpu.dma_semaphore, #tpu.memory_space<semaphore_mem>>
      %dma_start3A = tpu.memref_slice %arg7[%mul3A_18] : memref<10240xf32, #tpu.memory_space<vmem_shared>> -> memref<640xf32, #tpu.memory_space<vmem_shared>>
      %dma_start3A_31 = tpu.memref_slice %arg7[%mul3A_18] : memref<10240xf32, #tpu.memory_space<vmem_shared>> -> memref<640xf32, #tpu.memory_space<vmem_shared>>
      tpu.enqueue_dma source(%arg6 : memref<640xf32, #tpu.memory_space<vmem>>) target(%dma_start3A_31 : memref<640xf32, #tpu.memory_space<vmem_shared>>) target_semaphore(%run_scoped3A : memref<!tpu.dma_semaphore, #tpu.memory_space<semaphore_mem>>)
      %dma_wait3A = tpu.memref_slice %arg7[%mul3A_18] : memref<10240xf32, #tpu.memory_space<vmem_shared>> -> memref<640xf32, #tpu.memory_space<vmem_shared>>
      %dma_wait3A_32 = tpu.memref_slice %arg7[%mul3A_18] : memref<10240xf32, #tpu.memory_space<vmem_shared>> -> memref<640xf32, #tpu.memory_space<vmem_shared>>
      tpu.wait_dma2 semaphore(%run_scoped3A : memref<!tpu.dma_semaphore, #tpu.memory_space<semaphore_mem>>) src(%arg6 : memref<640xf32, #tpu.memory_space<vmem>>) dst(%dma_wait3A_32 : memref<640xf32, #tpu.memory_space<vmem_shared>>)
      tpu.yield
    }) : () -> ()
    %barrier3A = arith.constant 0 : index
    tpu.barrier barrier_id(%barrier3A)
    %scan3A_19 = arith.constant 0 : i32
    %scan3A_20 = arith.constant 0 : i32
    %scan3A_21 = arith.constant 80 : i32
    %scan3A_22 = arith.addi %scan3A_20, %scan3A_21 : i32
    %scan3A_23 = arith.constant 1 : i32
    %scan3A_24 = scf.for %scan3A_31 = %scan3A_20 to %scan3A_22 step %scan3A_23 iter_args(%scan3A_32 = %scan3A_19) -> (i32)  : i32 {
      %mul3A_33 = arith.constant 80 : i32
      %mul3A_34 = arith.muli %add3A, %mul3A_33 : i32
      %add3A_35 = arith.addi %mul3A_34, %scan3A_31 : i32
      %mul3A_36 = arith.constant 128 : i32
      %mul3A_37 = arith.muli %add3A_35, %mul3A_36 : i32
      "tpu.region"() ({
        %run_scoped3A = tpu.sem_alloc : memref<!tpu.dma_semaphore, #tpu.memory_space<semaphore_mem>>
        %dma_start3A = tpu.memref_slice %arg2[%mul3A_37] : memref<327680xi32, #tpu.memory_space<hbm>> -> memref<128xi32, #tpu.memory_space<hbm>>
        %dma_start3A_39 = tpu.memref_slice %arg2[%mul3A_37] : memref<327680xi32, #tpu.memory_space<hbm>> -> memref<128xi32, #tpu.memory_space<hbm>>
        tpu.enqueue_dma source(%dma_start3A_39 : memref<128xi32, #tpu.memory_space<hbm>>) target(%arg4 : memref<128xi32, #tpu.memory_space<vmem>>) target_semaphore(%run_scoped3A : memref<!tpu.dma_semaphore, #tpu.memory_space<semaphore_mem>>)
        %dma_wait3A = tpu.memref_slice %arg2[%mul3A_37] : memref<327680xi32, #tpu.memory_space<hbm>> -> memref<128xi32, #tpu.memory_space<hbm>>
        %dma_wait3A_40 = tpu.memref_slice %arg2[%mul3A_37] : memref<327680xi32, #tpu.memory_space<hbm>> -> memref<128xi32, #tpu.memory_space<hbm>>
        tpu.wait_dma2 semaphore(%run_scoped3A : memref<!tpu.dma_semaphore, #tpu.memory_space<semaphore_mem>>) src(%dma_wait3A_40 : memref<128xi32, #tpu.memory_space<hbm>>) dst(%arg4 : memref<128xi32, #tpu.memory_space<vmem>>)
        tpu.yield
      }) : () -> ()
      "tpu.region"() ({
        %run_scoped3A = tpu.sem_alloc : memref<!tpu.dma_semaphore, #tpu.memory_space<semaphore_mem>>
        %dma_start3A = arith.constant 0 : i32
        %dma_start3A_39 = tpu.memref_slice %arg7[%dma_start3A] : memref<10240xf32, #tpu.memory_space<vmem_shared>> -> memref<10240xf32, #tpu.memory_space<vmem_shared>>
        tpu.enqueue_indirect_dma source(%arg5 : memref<128xf32, #tpu.memory_space<vmem>>) target(%dma_start3A_39 : memref<10240xf32, #tpu.memory_space<vmem_shared>>) offsets(%arg4 : memref<128xi32, #tpu.memory_space<vmem>>) semaphore(%run_scoped3A : memref<!tpu.dma_semaphore, #tpu.memory_space<semaphore_mem>>) {add = true}
        %dma_wait3A = arith.constant 0 : i32
        %dma_wait3A_40 = tpu.memref_slice %arg7[%dma_wait3A] : memref<10240xf32, #tpu.memory_space<vmem_shared>> -> memref<10240xf32, #tpu.memory_space<vmem_shared>>
        tpu.wait_indirect_dma semaphore(%run_scoped3A : memref<!tpu.dma_semaphore, #tpu.memory_space<semaphore_mem>>) src(%arg5 : memref<128xf32, #tpu.memory_space<vmem>>) dst(%dma_wait3A_40 : memref<10240xf32, #tpu.memory_space<vmem_shared>>)
        tpu.yield
      }) : () -> ()
      %scan3A_38 = arith.constant 0 : i32
      scf.yield %scan3A_38 : i32
    }
    %scan3A_25 = arith.constant 80 : i32
    %barrier3A_26 = arith.constant 0 : index
    tpu.barrier barrier_id(%barrier3A_26)
    %mul3A_27 = arith.constant 640 : i32
    %mul3A_28 = arith.muli %arg1, %mul3A_27 : i32
    %mul3A_29 = arith.constant 640 : i32
    %mul3A_30 = arith.muli %arg1, %mul3A_29 : i32
    "tpu.region"() ({
      %run_scoped3A = tpu.sem_alloc : memref<!tpu.dma_semaphore, #tpu.memory_space<semaphore_mem>>
      %dma_start3A = tpu.memref_slice %arg3[%arg0, %mul3A_30] : memref<2x10240xf32, #tpu.memory_space<hbm>> -> memref<1x640xf32, #tpu.memory_space<hbm>>
      %dma_start3A_31 = tpu.memref_squeeze %dma_start3A : memref<1x640xf32, #tpu.memory_space<hbm>> -> memref<640xf32, #tpu.memory_space<hbm>>
      %dma_start3A_32 = tpu.memref_slice %arg7[%mul3A_28] : memref<10240xf32, #tpu.memory_space<vmem_shared>> -> memref<640xf32, #tpu.memory_space<vmem_shared>>
      tpu.enqueue_dma source(%dma_start3A_32 : memref<640xf32, #tpu.memory_space<vmem_shared>>) target(%dma_start3A_31 : memref<640xf32, #tpu.memory_space<hbm>>) target_semaphore(%run_scoped3A : memref<!tpu.dma_semaphore, #tpu.memory_space<semaphore_mem>>)
      %dma_wait3A = tpu.memref_slice %arg3[%arg0, %mul3A_30] : memref<2x10240xf32, #tpu.memory_space<hbm>> -> memref<1x640xf32, #tpu.memory_space<hbm>>
      %dma_wait3A_33 = tpu.memref_squeeze %dma_wait3A : memref<1x640xf32, #tpu.memory_space<hbm>> -> memref<640xf32, #tpu.memory_space<hbm>>
      %dma_wait3A_34 = tpu.memref_slice %arg7[%mul3A_28] : memref<10240xf32, #tpu.memory_space<vmem_shared>> -> memref<640xf32, #tpu.memory_space<vmem_shared>>
      tpu.wait_dma2 semaphore(%run_scoped3A : memref<!tpu.dma_semaphore, #tpu.memory_space<semaphore_mem>>) src(%dma_wait3A_34 : memref<640xf32, #tpu.memory_space<vmem_shared>>) dst(%dma_wait3A_33 : memref<640xf32, #tpu.memory_space<hbm>>)
      tpu.yield
    }) : () -> ()
    return
  }
}

#map = affine_map<(d0, d1) -> (0, 0)>
#map1 = affine_map<(d0, d1) -> (0)>
#map2 = affine_map<(d0, d1) -> (0, 0, 0)>
module attributes {stable_mosaic.version = 14 : i64} {
  func.func @_spmm_kernel(%arg0: i32, %arg1: i32, %arg2: memref<10000x128xf32, #tpu.memory_space<hbm>>, %arg3: memref<327680xi32, #tpu.memory_space<hbm>>, %arg4: memref<327680xi32, #tpu.memory_space<hbm>>, %arg5: memref<2x10240x128xf32, #tpu.memory_space<hbm>>, %arg6: memref<10240xi32, #tpu.memory_space<vmem>>, %arg7: memref<2x128xi32, #tpu.memory_space<vmem>>, %arg8: memref<128x128xf32, #tpu.memory_space<vmem>>, %arg9: memref<128x128xf32, #tpu.memory_space<vmem>>, %arg10: memref<10240x128xf32, #tpu.memory_space<vmem_shared>>, %arg11: memref<!tpu.dma_semaphore, #tpu.memory_space<semaphore_mem>>, %arg12: memref<!tpu.dma_semaphore, #tpu.memory_space<semaphore_mem>>, %arg13: memref<!tpu.dma_semaphore, #tpu.memory_space<semaphore_mem>>, %arg14: memref<!tpu.dma_semaphore, #tpu.memory_space<semaphore_mem>>) attributes {dimension_semantics = [#tpu.dimension_semantics<core_parallel>, #tpu.dimension_semantics<subcore_parallel>], iteration_bounds = array<i64: 2, 16>, scalar_prefetch = 0 : i64, scratch_operands = 9 : i64, tpu.core_type = #tpu.core_type<sc_vector_subcore>, window_params = [{transform_indices = #map}, {transform_indices = #map1}, {transform_indices = #map1}, {transform_indices = #map2}]} {
    %mul3A = arith.constant 2 : i32
    %mul3A_0 = arith.muli %arg1, %mul3A : i32
    %add3A = arith.addi %mul3A_0, %arg0 : i32
    %broadcast_in_dim3A = arith.constant 0.000000e+00 : f32
    %broadcast_in_dim3A_1 = vector.broadcast %broadcast_in_dim3A : f32 to vector<16xf32>
    %scan3A = arith.constant 0 : i32
    %scan3A_2 = arith.constant 0 : i32
    %scan3A_3 = arith.constant 128 : i32
    %scan3A_4 = arith.addi %scan3A_2, %scan3A_3 : i32
    %scan3A_5 = arith.constant 1 : i32
    %scan3A_6 = scf.for %scan3A_73 = %scan3A_2 to %scan3A_4 step %scan3A_5 iter_args(%scan3A_74 = %scan3A) -> (i32)  : i32 {
      %swap3A = arith.index_cast %scan3A_73 : i32 to index
      %swap3A_75 = arith.constant 0 : index
      %swap3A_76 = tpu.vector_load %arg8[%swap3A, %swap3A_75] {strides = array<i32>} : memref<128x128xf32, #tpu.memory_space<vmem>>, vector<1x16xf32>,
      %swap3A_77 = vector.shape_cast %swap3A_76 : vector<1x16xf32> to vector<16xf32>
      %swap3A_78 = vector.shape_cast %broadcast_in_dim3A_1 : vector<16xf32> to vector<1x16xf32>
      tpu.vector_store %arg8[%swap3A, %swap3A_75], %swap3A_78 {strides = array<i32>} : memref<128x128xf32, #tpu.memory_space<vmem>>, vector<1x16xf32>,
      %swap3A_79 = arith.index_cast %scan3A_73 : i32 to index
      %swap3A_80 = arith.constant 16 : index
      %swap3A_81 = tpu.vector_load %arg8[%swap3A_79, %swap3A_80] {strides = array<i32>} : memref<128x128xf32, #tpu.memory_space<vmem>>, vector<1x16xf32>,
      %swap3A_82 = vector.shape_cast %swap3A_81 : vector<1x16xf32> to vector<16xf32>
      %swap3A_83 = vector.shape_cast %broadcast_in_dim3A_1 : vector<16xf32> to vector<1x16xf32>
      tpu.vector_store %arg8[%swap3A_79, %swap3A_80], %swap3A_83 {strides = array<i32>} : memref<128x128xf32, #tpu.memory_space<vmem>>, vector<1x16xf32>,
      %swap3A_84 = arith.index_cast %scan3A_73 : i32 to index
      %swap3A_85 = arith.constant 32 : index
      %swap3A_86 = tpu.vector_load %arg8[%swap3A_84, %swap3A_85] {strides = array<i32>} : memref<128x128xf32, #tpu.memory_space<vmem>>, vector<1x16xf32>,
      %swap3A_87 = vector.shape_cast %swap3A_86 : vector<1x16xf32> to vector<16xf32>
      %swap3A_88 = vector.shape_cast %broadcast_in_dim3A_1 : vector<16xf32> to vector<1x16xf32>
      tpu.vector_store %arg8[%swap3A_84, %swap3A_85], %swap3A_88 {strides = array<i32>} : memref<128x128xf32, #tpu.memory_space<vmem>>, vector<1x16xf32>,
      %swap3A_89 = arith.index_cast %scan3A_73 : i32 to index
      %swap3A_90 = arith.constant 48 : index
      %swap3A_91 = tpu.vector_load %arg8[%swap3A_89, %swap3A_90] {strides = array<i32>} : memref<128x128xf32, #tpu.memory_space<vmem>>, vector<1x16xf32>,
      %swap3A_92 = vector.shape_cast %swap3A_91 : vector<1x16xf32> to vector<16xf32>
      %swap3A_93 = vector.shape_cast %broadcast_in_dim3A_1 : vector<16xf32> to vector<1x16xf32>
      tpu.vector_store %arg8[%swap3A_89, %swap3A_90], %swap3A_93 {strides = array<i32>} : memref<128x128xf32, #tpu.memory_space<vmem>>, vector<1x16xf32>,
      %swap3A_94 = arith.index_cast %scan3A_73 : i32 to index
      %swap3A_95 = arith.constant 64 : index
      %swap3A_96 = tpu.vector_load %arg8[%swap3A_94, %swap3A_95] {strides = array<i32>} : memref<128x128xf32, #tpu.memory_space<vmem>>, vector<1x16xf32>,
      %swap3A_97 = vector.shape_cast %swap3A_96 : vector<1x16xf32> to vector<16xf32>
      %swap3A_98 = vector.shape_cast %broadcast_in_dim3A_1 : vector<16xf32> to vector<1x16xf32>
      tpu.vector_store %arg8[%swap3A_94, %swap3A_95], %swap3A_98 {strides = array<i32>} : memref<128x128xf32, #tpu.memory_space<vmem>>, vector<1x16xf32>,
      %swap3A_99 = arith.index_cast %scan3A_73 : i32 to index
      %swap3A_100 = arith.constant 80 : index
      %swap3A_101 = tpu.vector_load %arg8[%swap3A_99, %swap3A_100] {strides = array<i32>} : memref<128x128xf32, #tpu.memory_space<vmem>>, vector<1x16xf32>,
      %swap3A_102 = vector.shape_cast %swap3A_101 : vector<1x16xf32> to vector<16xf32>
      %swap3A_103 = vector.shape_cast %broadcast_in_dim3A_1 : vector<16xf32> to vector<1x16xf32>
      tpu.vector_store %arg8[%swap3A_99, %swap3A_100], %swap3A_103 {strides = array<i32>} : memref<128x128xf32, #tpu.memory_space<vmem>>, vector<1x16xf32>,
      %swap3A_104 = arith.index_cast %scan3A_73 : i32 to index
      %swap3A_105 = arith.constant 96 : index
      %swap3A_106 = tpu.vector_load %arg8[%swap3A_104, %swap3A_105] {strides = array<i32>} : memref<128x128xf32, #tpu.memory_space<vmem>>, vector<1x16xf32>,
      %swap3A_107 = vector.shape_cast %swap3A_106 : vector<1x16xf32> to vector<16xf32>
      %swap3A_108 = vector.shape_cast %broadcast_in_dim3A_1 : vector<16xf32> to vector<1x16xf32>
      tpu.vector_store %arg8[%swap3A_104, %swap3A_105], %swap3A_108 {strides = array<i32>} : memref<128x128xf32, #tpu.memory_space<vmem>>, vector<1x16xf32>,
      %swap3A_109 = arith.index_cast %scan3A_73 : i32 to index
      %swap3A_110 = arith.constant 112 : index
      %swap3A_111 = tpu.vector_load %arg8[%swap3A_109, %swap3A_110] {strides = array<i32>} : memref<128x128xf32, #tpu.memory_space<vmem>>, vector<1x16xf32>,
      %swap3A_112 = vector.shape_cast %swap3A_111 : vector<1x16xf32> to vector<16xf32>
      %swap3A_113 = vector.shape_cast %broadcast_in_dim3A_1 : vector<16xf32> to vector<1x16xf32>
      tpu.vector_store %arg8[%swap3A_109, %swap3A_110], %swap3A_113 {strides = array<i32>} : memref<128x128xf32, #tpu.memory_space<vmem>>, vector<1x16xf32>,
      %scan3A_114 = arith.constant 0 : i32
      scf.yield %scan3A_114 : i32
    }
    %scan3A_7 = arith.constant 128 : i32
    %mul3A_8 = arith.constant 640 : i32
    %mul3A_9 = arith.muli %arg1, %mul3A_8 : i32
    %add3A_10 = arith.constant 0 : i32
    %add3A_11 = arith.addi %mul3A_9, %add3A_10 : i32
    "tpu.region"() ({
      %run_scoped3A = tpu.sem_alloc : memref<!tpu.dma_semaphore, #tpu.memory_space<semaphore_mem>>
      %dma_start3A_73 = arith.constant 0 : i32
      %dma_start3A_74 = tpu.memref_slice %arg10[%add3A_11, %dma_start3A_73] : memref<10240x128xf32, #tpu.memory_space<vmem_shared>> -> memref<128x128xf32, #tpu.memory_space<vmem_shared>>
      %dma_start3A_75 = arith.constant 0 : i32
      %dma_start3A_76 = tpu.memref_slice %arg10[%add3A_11, %dma_start3A_75] : memref<10240x128xf32, #tpu.memory_space<vmem_shared>> -> memref<128x128xf32, #tpu.memory_space<vmem_shared>>
      tpu.enqueue_dma source(%arg8 : memref<128x128xf32, #tpu.memory_space<vmem>>) target(%dma_start3A_76 : memref<128x128xf32, #tpu.memory_space<vmem_shared>>) target_semaphore(%run_scoped3A : memref<!tpu.dma_semaphore, #tpu.memory_space<semaphore_mem>>)
      %dma_wait3A = arith.constant 0 : i32
      %dma_wait3A_77 = tpu.memref_slice %arg10[%add3A_11, %dma_wait3A] : memref<10240x128xf32, #tpu.memory_space<vmem_shared>> -> memref<128x128xf32, #tpu.memory_space<vmem_shared>>
      %dma_wait3A_78 = arith.constant 0 : i32
      %dma_wait3A_79 = tpu.memref_slice %arg10[%add3A_11, %dma_wait3A_78] : memref<10240x128xf32, #tpu.memory_space<vmem_shared>> -> memref<128x128xf32, #tpu.memory_space<vmem_shared>>
      tpu.wait_dma2 semaphore(%run_scoped3A : memref<!tpu.dma_semaphore, #tpu.memory_space<semaphore_mem>>) src(%arg8 : memref<128x128xf32, #tpu.memory_space<vmem>>) dst(%dma_wait3A_79 : memref<128x128xf32, #tpu.memory_space<vmem_shared>>)
      tpu.yield
    }) : () -> ()
    %mul3A_12 = arith.constant 640 : i32
    %mul3A_13 = arith.muli %arg1, %mul3A_12 : i32
    %add3A_14 = arith.constant 128 : i32
    %add3A_15 = arith.addi %mul3A_13, %add3A_14 : i32
    "tpu.region"() ({
      %run_scoped3A = tpu.sem_alloc : memref<!tpu.dma_semaphore, #tpu.memory_space<semaphore_mem>>
      %dma_start3A_73 = arith.constant 0 : i32
      %dma_start3A_74 = tpu.memref_slice %arg10[%add3A_15, %dma_start3A_73] : memref<10240x128xf32, #tpu.memory_space<vmem_shared>> -> memref<128x128xf32, #tpu.memory_space<vmem_shared>>
      %dma_start3A_75 = arith.constant 0 : i32
      %dma_start3A_76 = tpu.memref_slice %arg10[%add3A_15, %dma_start3A_75] : memref<10240x128xf32, #tpu.memory_space<vmem_shared>> -> memref<128x128xf32, #tpu.memory_space<vmem_shared>>
      tpu.enqueue_dma source(%arg8 : memref<128x128xf32, #tpu.memory_space<vmem>>) target(%dma_start3A_76 : memref<128x128xf32, #tpu.memory_space<vmem_shared>>) target_semaphore(%run_scoped3A : memref<!tpu.dma_semaphore, #tpu.memory_space<semaphore_mem>>)
      %dma_wait3A = arith.constant 0 : i32
      %dma_wait3A_77 = tpu.memref_slice %arg10[%add3A_15, %dma_wait3A] : memref<10240x128xf32, #tpu.memory_space<vmem_shared>> -> memref<128x128xf32, #tpu.memory_space<vmem_shared>>
      %dma_wait3A_78 = arith.constant 0 : i32
      %dma_wait3A_79 = tpu.memref_slice %arg10[%add3A_15, %dma_wait3A_78] : memref<10240x128xf32, #tpu.memory_space<vmem_shared>> -> memref<128x128xf32, #tpu.memory_space<vmem_shared>>
      tpu.wait_dma2 semaphore(%run_scoped3A : memref<!tpu.dma_semaphore, #tpu.memory_space<semaphore_mem>>) src(%arg8 : memref<128x128xf32, #tpu.memory_space<vmem>>) dst(%dma_wait3A_79 : memref<128x128xf32, #tpu.memory_space<vmem_shared>>)
      tpu.yield
    }) : () -> ()
    %mul3A_16 = arith.constant 640 : i32
    %mul3A_17 = arith.muli %arg1, %mul3A_16 : i32
    %add3A_18 = arith.constant 256 : i32
    %add3A_19 = arith.addi %mul3A_17, %add3A_18 : i32
    "tpu.region"() ({
      %run_scoped3A = tpu.sem_alloc : memref<!tpu.dma_semaphore, #tpu.memory_space<semaphore_mem>>
      %dma_start3A_73 = arith.constant 0 : i32
      %dma_start3A_74 = tpu.memref_slice %arg10[%add3A_19, %dma_start3A_73] : memref<10240x128xf32, #tpu.memory_space<vmem_shared>> -> memref<128x128xf32, #tpu.memory_space<vmem_shared>>
      %dma_start3A_75 = arith.constant 0 : i32
      %dma_start3A_76 = tpu.memref_slice %arg10[%add3A_19, %dma_start3A_75] : memref<10240x128xf32, #tpu.memory_space<vmem_shared>> -> memref<128x128xf32, #tpu.memory_space<vmem_shared>>
      tpu.enqueue_dma source(%arg8 : memref<128x128xf32, #tpu.memory_space<vmem>>) target(%dma_start3A_76 : memref<128x128xf32, #tpu.memory_space<vmem_shared>>) target_semaphore(%run_scoped3A : memref<!tpu.dma_semaphore, #tpu.memory_space<semaphore_mem>>)
      %dma_wait3A = arith.constant 0 : i32
      %dma_wait3A_77 = tpu.memref_slice %arg10[%add3A_19, %dma_wait3A] : memref<10240x128xf32, #tpu.memory_space<vmem_shared>> -> memref<128x128xf32, #tpu.memory_space<vmem_shared>>
      %dma_wait3A_78 = arith.constant 0 : i32
      %dma_wait3A_79 = tpu.memref_slice %arg10[%add3A_19, %dma_wait3A_78] : memref<10240x128xf32, #tpu.memory_space<vmem_shared>> -> memref<128x128xf32, #tpu.memory_space<vmem_shared>>
      tpu.wait_dma2 semaphore(%run_scoped3A : memref<!tpu.dma_semaphore, #tpu.memory_space<semaphore_mem>>) src(%arg8 : memref<128x128xf32, #tpu.memory_space<vmem>>) dst(%dma_wait3A_79 : memref<128x128xf32, #tpu.memory_space<vmem_shared>>)
      tpu.yield
    }) : () -> ()
    %mul3A_20 = arith.constant 640 : i32
    %mul3A_21 = arith.muli %arg1, %mul3A_20 : i32
    %add3A_22 = arith.constant 384 : i32
    %add3A_23 = arith.addi %mul3A_21, %add3A_22 : i32
    "tpu.region"() ({
      %run_scoped3A = tpu.sem_alloc : memref<!tpu.dma_semaphore, #tpu.memory_space<semaphore_mem>>
      %dma_start3A_73 = arith.constant 0 : i32
      %dma_start3A_74 = tpu.memref_slice %arg10[%add3A_23, %dma_start3A_73] : memref<10240x128xf32, #tpu.memory_space<vmem_shared>> -> memref<128x128xf32, #tpu.memory_space<vmem_shared>>
      %dma_start3A_75 = arith.constant 0 : i32
      %dma_start3A_76 = tpu.memref_slice %arg10[%add3A_23, %dma_start3A_75] : memref<10240x128xf32, #tpu.memory_space<vmem_shared>> -> memref<128x128xf32, #tpu.memory_space<vmem_shared>>
      tpu.enqueue_dma source(%arg8 : memref<128x128xf32, #tpu.memory_space<vmem>>) target(%dma_start3A_76 : memref<128x128xf32, #tpu.memory_space<vmem_shared>>) target_semaphore(%run_scoped3A : memref<!tpu.dma_semaphore, #tpu.memory_space<semaphore_mem>>)
      %dma_wait3A = arith.constant 0 : i32
      %dma_wait3A_77 = tpu.memref_slice %arg10[%add3A_23, %dma_wait3A] : memref<10240x128xf32, #tpu.memory_space<vmem_shared>> -> memref<128x128xf32, #tpu.memory_space<vmem_shared>>
      %dma_wait3A_78 = arith.constant 0 : i32
      %dma_wait3A_79 = tpu.memref_slice %arg10[%add3A_23, %dma_wait3A_78] : memref<10240x128xf32, #tpu.memory_space<vmem_shared>> -> memref<128x128xf32, #tpu.memory_space<vmem_shared>>
      tpu.wait_dma2 semaphore(%run_scoped3A : memref<!tpu.dma_semaphore, #tpu.memory_space<semaphore_mem>>) src(%arg8 : memref<128x128xf32, #tpu.memory_space<vmem>>) dst(%dma_wait3A_79 : memref<128x128xf32, #tpu.memory_space<vmem_shared>>)
      tpu.yield
    }) : () -> ()
    %mul3A_24 = arith.constant 640 : i32
    %mul3A_25 = arith.muli %arg1, %mul3A_24 : i32
    %add3A_26 = arith.constant 512 : i32
    %add3A_27 = arith.addi %mul3A_25, %add3A_26 : i32
    "tpu.region"() ({
      %run_scoped3A = tpu.sem_alloc : memref<!tpu.dma_semaphore, #tpu.memory_space<semaphore_mem>>
      %dma_start3A_73 = arith.constant 0 : i32
      %dma_start3A_74 = tpu.memref_slice %arg10[%add3A_27, %dma_start3A_73] : memref<10240x128xf32, #tpu.memory_space<vmem_shared>> -> memref<128x128xf32, #tpu.memory_space<vmem_shared>>
      %dma_start3A_75 = arith.constant 0 : i32
      %dma_start3A_76 = tpu.memref_slice %arg10[%add3A_27, %dma_start3A_75] : memref<10240x128xf32, #tpu.memory_space<vmem_shared>> -> memref<128x128xf32, #tpu.memory_space<vmem_shared>>
      tpu.enqueue_dma source(%arg8 : memref<128x128xf32, #tpu.memory_space<vmem>>) target(%dma_start3A_76 : memref<128x128xf32, #tpu.memory_space<vmem_shared>>) target_semaphore(%run_scoped3A : memref<!tpu.dma_semaphore, #tpu.memory_space<semaphore_mem>>)
      %dma_wait3A = arith.constant 0 : i32
      %dma_wait3A_77 = tpu.memref_slice %arg10[%add3A_27, %dma_wait3A] : memref<10240x128xf32, #tpu.memory_space<vmem_shared>> -> memref<128x128xf32, #tpu.memory_space<vmem_shared>>
      %dma_wait3A_78 = arith.constant 0 : i32
      %dma_wait3A_79 = tpu.memref_slice %arg10[%add3A_27, %dma_wait3A_78] : memref<10240x128xf32, #tpu.memory_space<vmem_shared>> -> memref<128x128xf32, #tpu.memory_space<vmem_shared>>
      tpu.wait_dma2 semaphore(%run_scoped3A : memref<!tpu.dma_semaphore, #tpu.memory_space<semaphore_mem>>) src(%arg8 : memref<128x128xf32, #tpu.memory_space<vmem>>) dst(%dma_wait3A_79 : memref<128x128xf32, #tpu.memory_space<vmem_shared>>)
      tpu.yield
    }) : () -> ()
    %mul3A_28 = arith.constant 10240 : i32
    %mul3A_29 = arith.muli %add3A, %mul3A_28 : i32
    "tpu.region"() ({
      %run_scoped3A = tpu.sem_alloc : memref<!tpu.dma_semaphore, #tpu.memory_space<semaphore_mem>>
      %dma_start3A_73 = tpu.memref_slice %arg3[%mul3A_29] : memref<327680xi32, #tpu.memory_space<hbm>> -> memref<10240xi32, #tpu.memory_space<hbm>>
      %dma_start3A_74 = tpu.memref_slice %arg3[%mul3A_29] : memref<327680xi32, #tpu.memory_space<hbm>> -> memref<10240xi32, #tpu.memory_space<hbm>>
      tpu.enqueue_dma source(%dma_start3A_74 : memref<10240xi32, #tpu.memory_space<hbm>>) target(%arg6 : memref<10240xi32, #tpu.memory_space<vmem>>) target_semaphore(%run_scoped3A : memref<!tpu.dma_semaphore, #tpu.memory_space<semaphore_mem>>)
      %dma_wait3A = tpu.memref_slice %arg3[%mul3A_29] : memref<327680xi32, #tpu.memory_space<hbm>> -> memref<10240xi32, #tpu.memory_space<hbm>>
      %dma_wait3A_75 = tpu.memref_slice %arg3[%mul3A_29] : memref<327680xi32, #tpu.memory_space<hbm>> -> memref<10240xi32, #tpu.memory_space<hbm>>
      tpu.wait_dma2 semaphore(%run_scoped3A : memref<!tpu.dma_semaphore, #tpu.memory_space<semaphore_mem>>) src(%dma_wait3A_75 : memref<10240xi32, #tpu.memory_space<hbm>>) dst(%arg6 : memref<10240xi32, #tpu.memory_space<vmem>>)
      tpu.yield
    }) : () -> ()
    %barrier3A = arith.constant 0 : index
    tpu.barrier barrier_id(%barrier3A)
    %dma_start3A = arith.constant 0 : i32
    %dma_start3A_30 = tpu.memref_slice %arg6[%dma_start3A] : memref<10240xi32, #tpu.memory_space<vmem>> -> memref<128xi32, #tpu.memory_space<vmem>>
    %dma_start3A_31 = arith.constant 0 : i32
    %dma_start3A_32 = arith.constant 0 : i32
    %dma_start3A_33 = tpu.memref_slice %arg2[%dma_start3A_31, %dma_start3A_32] : memref<10000x128xf32, #tpu.memory_space<hbm>> -> memref<10000x128xf32, #tpu.memory_space<hbm>>
    tpu.enqueue_indirect_dma source(%dma_start3A_33 : memref<10000x128xf32, #tpu.memory_space<hbm>>) target(%arg8 : memref<128x128xf32, #tpu.memory_space<vmem>>) offsets(%dma_start3A_30 : memref<128xi32, #tpu.memory_space<vmem>>) semaphore(%arg11 : memref<!tpu.dma_semaphore, #tpu.memory_space<semaphore_mem>>)
    %add3A_34 = arith.constant 0 : i32
    %add3A_35 = arith.addi %mul3A_29, %add3A_34 : i32
    %dma_start3A_36 = arith.constant 0 : i32
    %dma_start3A_37 = arith.constant 0 : i32
    %dma_start3A_38 = tpu.memref_slice %arg7[%dma_start3A_36, %dma_start3A_37] : memref<2x128xi32, #tpu.memory_space<vmem>> -> memref<1x128xi32, #tpu.memory_space<vmem>>
    %dma_start3A_39 = tpu.memref_squeeze %dma_start3A_38 : memref<1x128xi32, #tpu.memory_space<vmem>> -> memref<128xi32, #tpu.memory_space<vmem>>
    %dma_start3A_40 = tpu.memref_slice %arg4[%add3A_35] : memref<327680xi32, #tpu.memory_space<hbm>> -> memref<128xi32, #tpu.memory_space<hbm>>
    %dma_start3A_41 = arith.constant 0 : i32
    %dma_start3A_42 = tpu.memref_slice %arg7[%dma_start3A_36, %dma_start3A_41] : memref<2x128xi32, #tpu.memory_space<vmem>> -> memref<1x128xi32, #tpu.memory_space<vmem>>
    %dma_start3A_43 = tpu.memref_squeeze %dma_start3A_42 : memref<1x128xi32, #tpu.memory_space<vmem>> -> memref<128xi32, #tpu.memory_space<vmem>>
    %dma_start3A_44 = tpu.memref_slice %arg4[%add3A_35] : memref<327680xi32, #tpu.memory_space<hbm>> -> memref<128xi32, #tpu.memory_space<hbm>>
    tpu.enqueue_dma source(%dma_start3A_44 : memref<128xi32, #tpu.memory_space<hbm>>) target(%dma_start3A_43 : memref<128xi32, #tpu.memory_space<vmem>>) target_semaphore(%arg13 : memref<!tpu.dma_semaphore, #tpu.memory_space<semaphore_mem>>)
    %dma_start3A_45 = arith.constant 128 : i32
    %dma_start3A_46 = tpu.memref_slice %arg6[%dma_start3A_45] : memref<10240xi32, #tpu.memory_space<vmem>> -> memref<128xi32, #tpu.memory_space<vmem>>
    %dma_start3A_47 = arith.constant 0 : i32
    %dma_start3A_48 = arith.constant 0 : i32
    %dma_start3A_49 = tpu.memref_slice %arg2[%dma_start3A_47, %dma_start3A_48] : memref<10000x128xf32, #tpu.memory_space<hbm>> -> memref<10000x128xf32, #tpu.memory_space<hbm>>
    tpu.enqueue_indirect_dma source(%dma_start3A_49 : memref<10000x128xf32, #tpu.memory_space<hbm>>) target(%arg9 : memref<128x128xf32, #tpu.memory_space<vmem>>) offsets(%dma_start3A_46 : memref<128xi32, #tpu.memory_space<vmem>>) semaphore(%arg12 : memref<!tpu.dma_semaphore, #tpu.memory_space<semaphore_mem>>)
    %add3A_50 = arith.constant 128 : i32
    %add3A_51 = arith.addi %mul3A_29, %add3A_50 : i32
    %dma_start3A_52 = arith.constant 1 : i32
    %dma_start3A_53 = arith.constant 0 : i32
    %dma_start3A_54 = tpu.memref_slice %arg7[%dma_start3A_52, %dma_start3A_53] : memref<2x128xi32, #tpu.memory_space<vmem>> -> memref<1x128xi32, #tpu.memory_space<vmem>>
    %dma_start3A_55 = tpu.memref_squeeze %dma_start3A_54 : memref<1x128xi32, #tpu.memory_space<vmem>> -> memref<128xi32, #tpu.memory_space<vmem>>
    %dma_start3A_56 = tpu.memref_slice %arg4[%add3A_51] : memref<327680xi32, #tpu.memory_space<hbm>> -> memref<128xi32, #tpu.memory_space<hbm>>
    %dma_start3A_57 = arith.constant 0 : i32
    %dma_start3A_58 = tpu.memref_slice %arg7[%dma_start3A_52, %dma_start3A_57] : memref<2x128xi32, #tpu.memory_space<vmem>> -> memref<1x128xi32, #tpu.memory_space<vmem>>
    %dma_start3A_59 = tpu.memref_squeeze %dma_start3A_58 : memref<1x128xi32, #tpu.memory_space<vmem>> -> memref<128xi32, #tpu.memory_space<vmem>>
    %dma_start3A_60 = tpu.memref_slice %arg4[%add3A_51] : memref<327680xi32, #tpu.memory_space<hbm>> -> memref<128xi32, #tpu.memory_space<hbm>>
    tpu.enqueue_dma source(%dma_start3A_60 : memref<128xi32, #tpu.memory_space<hbm>>) target(%dma_start3A_59 : memref<128xi32, #tpu.memory_space<vmem>>) target_semaphore(%arg14 : memref<!tpu.dma_semaphore, #tpu.memory_space<semaphore_mem>>)
    %scan3A_61 = arith.constant 0 : i32
    %scan3A_62 = arith.constant 0 : i32
    %scan3A_63 = arith.constant 40 : i32
    %scan3A_64 = arith.addi %scan3A_62, %scan3A_63 : i32
    %scan3A_65 = arith.constant 1 : i32
    %scan3A_66 = scf.for %scan3A_73 = %scan3A_62 to %scan3A_64 step %scan3A_65 iter_args(%scan3A_74 = %scan3A_61) -> (i32)  : i32 {
      %mul3A_75 = arith.constant 2 : i32
      %mul3A_76 = arith.muli %mul3A_75, %scan3A_73 : i32
      %dma_wait3A = arith.constant 0 : i32
      %dma_wait3A_77 = tpu.memref_slice %arg6[%dma_wait3A] : memref<10240xi32, #tpu.memory_space<vmem>> -> memref<128xi32, #tpu.memory_space<vmem>>
      %dma_wait3A_78 = arith.constant 0 : i32
      %dma_wait3A_79 = arith.constant 0 : i32
      %dma_wait3A_80 = tpu.memref_slice %arg2[%dma_wait3A_78, %dma_wait3A_79] : memref<10000x128xf32, #tpu.memory_space<hbm>> -> memref<10000x128xf32, #tpu.memory_space<hbm>>
      tpu.wait_indirect_dma semaphore(%arg11 : memref<!tpu.dma_semaphore, #tpu.memory_space<semaphore_mem>>) src(%dma_wait3A_80 : memref<10000x128xf32, #tpu.memory_space<hbm>>) dst(%arg8 : memref<128x128xf32, #tpu.memory_space<vmem>>)
      %dma_wait3A_81 = arith.constant 0 : i32
      %dma_wait3A_82 = arith.constant 0 : i32
      %dma_wait3A_83 = tpu.memref_slice %arg7[%dma_wait3A_81, %dma_wait3A_82] : memref<2x128xi32, #tpu.memory_space<vmem>> -> memref<1x128xi32, #tpu.memory_space<vmem>>
      %dma_wait3A_84 = tpu.memref_squeeze %dma_wait3A_83 : memref<1x128xi32, #tpu.memory_space<vmem>> -> memref<128xi32, #tpu.memory_space<vmem>>
      %dma_wait3A_85 = arith.constant 0 : i32
      %dma_wait3A_86 = tpu.memref_slice %arg4[%dma_wait3A_85] : memref<327680xi32, #tpu.memory_space<hbm>> -> memref<128xi32, #tpu.memory_space<hbm>>
      %dma_wait3A_87 = arith.constant 0 : i32
      %dma_wait3A_88 = tpu.memref_slice %arg7[%dma_wait3A_81, %dma_wait3A_87] : memref<2x128xi32, #tpu.memory_space<vmem>> -> memref<1x128xi32, #tpu.memory_space<vmem>>
      %dma_wait3A_89 = tpu.memref_squeeze %dma_wait3A_88 : memref<1x128xi32, #tpu.memory_space<vmem>> -> memref<128xi32, #tpu.memory_space<vmem>>
      %dma_wait3A_90 = arith.constant 0 : i32
      %dma_wait3A_91 = tpu.memref_slice %arg4[%dma_wait3A_90] : memref<327680xi32, #tpu.memory_space<hbm>> -> memref<128xi32, #tpu.memory_space<hbm>>
      tpu.wait_dma2 semaphore(%arg13 : memref<!tpu.dma_semaphore, #tpu.memory_space<semaphore_mem>>) src(%dma_wait3A_91 : memref<128xi32, #tpu.memory_space<hbm>>) dst(%dma_wait3A_89 : memref<128xi32, #tpu.memory_space<vmem>>)
      %run_scoped3A = arith.constant 0 : i32
      "tpu.region"() ({
        %run_scoped3A_121 = tpu.sem_alloc : memref<!tpu.dma_semaphore, #tpu.memory_space<semaphore_mem>>
        %dma_start3A_122 = arith.constant 0 : i32
        %dma_start3A_123 = tpu.memref_slice %arg7[%run_scoped3A, %dma_start3A_122] : memref<2x128xi32, #tpu.memory_space<vmem>> -> memref<1x128xi32, #tpu.memory_space<vmem>>
        %dma_start3A_124 = tpu.memref_squeeze %dma_start3A_123 : memref<1x128xi32, #tpu.memory_space<vmem>> -> memref<128xi32, #tpu.memory_space<vmem>>
        %dma_start3A_125 = arith.constant 0 : i32
        %dma_start3A_126 = arith.constant 0 : i32
        %dma_start3A_127 = tpu.memref_slice %arg10[%dma_start3A_125, %dma_start3A_126] : memref<10240x128xf32, #tpu.memory_space<vmem_shared>> -> memref<10240x128xf32, #tpu.memory_space<vmem_shared>>
        tpu.enqueue_indirect_dma source(%arg8 : memref<128x128xf32, #tpu.memory_space<vmem>>) target(%dma_start3A_127 : memref<10240x128xf32, #tpu.memory_space<vmem_shared>>) offsets(%dma_start3A_124 : memref<128xi32, #tpu.memory_space<vmem>>) semaphore(%run_scoped3A_121 : memref<!tpu.dma_semaphore, #tpu.memory_space<semaphore_mem>>) {add = true}
        %dma_wait3A_128 = arith.constant 0 : i32
        %dma_wait3A_129 = tpu.memref_slice %arg7[%run_scoped3A, %dma_wait3A_128] : memref<2x128xi32, #tpu.memory_space<vmem>> -> memref<1x128xi32, #tpu.memory_space<vmem>>
        %dma_wait3A_130 = tpu.memref_squeeze %dma_wait3A_129 : memref<1x128xi32, #tpu.memory_space<vmem>> -> memref<128xi32, #tpu.memory_space<vmem>>
        %dma_wait3A_131 = arith.constant 0 : i32
        %dma_wait3A_132 = arith.constant 0 : i32
        %dma_wait3A_133 = tpu.memref_slice %arg10[%dma_wait3A_131, %dma_wait3A_132] : memref<10240x128xf32, #tpu.memory_space<vmem_shared>> -> memref<10240x128xf32, #tpu.memory_space<vmem_shared>>
        tpu.wait_indirect_dma semaphore(%run_scoped3A_121 : memref<!tpu.dma_semaphore, #tpu.memory_space<semaphore_mem>>) src(%arg8 : memref<128x128xf32, #tpu.memory_space<vmem>>) dst(%dma_wait3A_133 : memref<10240x128xf32, #tpu.memory_space<vmem_shared>>)
        tpu.yield
      }) : () -> ()
      %add3A_92 = arith.constant 2 : i32
      %add3A_93 = arith.addi %mul3A_76, %add3A_92 : i32
      %lt3A = arith.constant 80 : i32
      %lt3A_94 = arith.cmpi slt, %add3A_93, %lt3A : i32
      %convert_element_type3A = arith.extui %lt3A_94 : i1 to i32
      %cond3A = arith.constant 0 : i32
      %cond3A_95 = arith.cmpi ne, %convert_element_type3A, %cond3A : i32
      scf.if %cond3A_95 {
        %add3A_121 = arith.constant 2 : i32
        %add3A_122 = arith.addi %mul3A_76, %add3A_121 : i32
        %mul3A_123 = arith.constant 128 : i32
        %mul3A_124 = arith.muli %add3A_122, %mul3A_123 : i32
        %dma_start3A_125 = tpu.memref_slice %arg6[%mul3A_124] : memref<10240xi32, #tpu.memory_space<vmem>> -> memref<128xi32, #tpu.memory_space<vmem>>
        %dma_start3A_126 = arith.constant 0 : i32
        %dma_start3A_127 = arith.constant 0 : i32
        %dma_start3A_128 = tpu.memref_slice %arg2[%dma_start3A_126, %dma_start3A_127] : memref<10000x128xf32, #tpu.memory_space<hbm>> -> memref<10000x128xf32, #tpu.memory_space<hbm>>
        tpu.enqueue_indirect_dma source(%dma_start3A_128 : memref<10000x128xf32, #tpu.memory_space<hbm>>) target(%arg8 : memref<128x128xf32, #tpu.memory_space<vmem>>) offsets(%dma_start3A_125 : memref<128xi32, #tpu.memory_space<vmem>>) semaphore(%arg11 : memref<!tpu.dma_semaphore, #tpu.memory_space<semaphore_mem>>)
        %add3A_129 = arith.constant 2 : i32
        %add3A_130 = arith.addi %mul3A_76, %add3A_129 : i32
        %mul3A_131 = arith.constant 128 : i32
        %mul3A_132 = arith.muli %add3A_130, %mul3A_131 : i32
        %add3A_133 = arith.addi %mul3A_29, %mul3A_132 : i32
        %dma_start3A_134 = arith.constant 0 : i32
        %dma_start3A_135 = arith.constant 0 : i32
        %dma_start3A_136 = tpu.memref_slice %arg7[%dma_start3A_134, %dma_start3A_135] : memref<2x128xi32, #tpu.memory_space<vmem>> -> memref<1x128xi32, #tpu.memory_space<vmem>>
        %dma_start3A_137 = tpu.memref_squeeze %dma_start3A_136 : memref<1x128xi32, #tpu.memory_space<vmem>> -> memref<128xi32, #tpu.memory_space<vmem>>
        %dma_start3A_138 = tpu.memref_slice %arg4[%add3A_133] : memref<327680xi32, #tpu.memory_space<hbm>> -> memref<128xi32, #tpu.memory_space<hbm>>
        %dma_start3A_139 = arith.constant 0 : i32
        %dma_start3A_140 = tpu.memref_slice %arg7[%dma_start3A_134, %dma_start3A_139] : memref<2x128xi32, #tpu.memory_space<vmem>> -> memref<1x128xi32, #tpu.memory_space<vmem>>
        %dma_start3A_141 = tpu.memref_squeeze %dma_start3A_140 : memref<1x128xi32, #tpu.memory_space<vmem>> -> memref<128xi32, #tpu.memory_space<vmem>>
        %dma_start3A_142 = tpu.memref_slice %arg4[%add3A_133] : memref<327680xi32, #tpu.memory_space<hbm>> -> memref<128xi32, #tpu.memory_space<hbm>>
        tpu.enqueue_dma source(%dma_start3A_142 : memref<128xi32, #tpu.memory_space<hbm>>) target(%dma_start3A_141 : memref<128xi32, #tpu.memory_space<vmem>>) target_semaphore(%arg13 : memref<!tpu.dma_semaphore, #tpu.memory_space<semaphore_mem>>)
      } else {
      }
      %dma_wait3A_96 = arith.constant 0 : i32
      %dma_wait3A_97 = tpu.memref_slice %arg6[%dma_wait3A_96] : memref<10240xi32, #tpu.memory_space<vmem>> -> memref<128xi32, #tpu.memory_space<vmem>>
      %dma_wait3A_98 = arith.constant 0 : i32
      %dma_wait3A_99 = arith.constant 0 : i32
      %dma_wait3A_100 = tpu.memref_slice %arg2[%dma_wait3A_98, %dma_wait3A_99] : memref<10000x128xf32, #tpu.memory_space<hbm>> -> memref<10000x128xf32, #tpu.memory_space<hbm>>
      tpu.wait_indirect_dma semaphore(%arg12 : memref<!tpu.dma_semaphore, #tpu.memory_space<semaphore_mem>>) src(%dma_wait3A_100 : memref<10000x128xf32, #tpu.memory_space<hbm>>) dst(%arg9 : memref<128x128xf32, #tpu.memory_space<vmem>>)
      %dma_wait3A_101 = arith.constant 1 : i32
      %dma_wait3A_102 = arith.constant 0 : i32
      %dma_wait3A_103 = tpu.memref_slice %arg7[%dma_wait3A_101, %dma_wait3A_102] : memref<2x128xi32, #tpu.memory_space<vmem>> -> memref<1x128xi32, #tpu.memory_space<vmem>>
      %dma_wait3A_104 = tpu.memref_squeeze %dma_wait3A_103 : memref<1x128xi32, #tpu.memory_space<vmem>> -> memref<128xi32, #tpu.memory_space<vmem>>
      %dma_wait3A_105 = arith.constant 0 : i32
      %dma_wait3A_106 = tpu.memref_slice %arg4[%dma_wait3A_105] : memref<327680xi32, #tpu.memory_space<hbm>> -> memref<128xi32, #tpu.memory_space<hbm>>
      %dma_wait3A_107 = arith.constant 0 : i32
      %dma_wait3A_108 = tpu.memref_slice %arg7[%dma_wait3A_101, %dma_wait3A_107] : memref<2x128xi32, #tpu.memory_space<vmem>> -> memref<1x128xi32, #tpu.memory_space<vmem>>
      %dma_wait3A_109 = tpu.memref_squeeze %dma_wait3A_108 : memref<1x128xi32, #tpu.memory_space<vmem>> -> memref<128xi32, #tpu.memory_space<vmem>>
      %dma_wait3A_110 = arith.constant 0 : i32
      %dma_wait3A_111 = tpu.memref_slice %arg4[%dma_wait3A_110] : memref<327680xi32, #tpu.memory_space<hbm>> -> memref<128xi32, #tpu.memory_space<hbm>>
      tpu.wait_dma2 semaphore(%arg14 : memref<!tpu.dma_semaphore, #tpu.memory_space<semaphore_mem>>) src(%dma_wait3A_111 : memref<128xi32, #tpu.memory_space<hbm>>) dst(%dma_wait3A_109 : memref<128xi32, #tpu.memory_space<vmem>>)
      %run_scoped3A_112 = arith.constant 1 : i32
      "tpu.region"() ({
        %run_scoped3A_121 = tpu.sem_alloc : memref<!tpu.dma_semaphore, #tpu.memory_space<semaphore_mem>>
        %dma_start3A_122 = arith.constant 0 : i32
        %dma_start3A_123 = tpu.memref_slice %arg7[%run_scoped3A_112, %dma_start3A_122] : memref<2x128xi32, #tpu.memory_space<vmem>> -> memref<1x128xi32, #tpu.memory_space<vmem>>
        %dma_start3A_124 = tpu.memref_squeeze %dma_start3A_123 : memref<1x128xi32, #tpu.memory_space<vmem>> -> memref<128xi32, #tpu.memory_space<vmem>>
        %dma_start3A_125 = arith.constant 0 : i32
        %dma_start3A_126 = arith.constant 0 : i32
        %dma_start3A_127 = tpu.memref_slice %arg10[%dma_start3A_125, %dma_start3A_126] : memref<10240x128xf32, #tpu.memory_space<vmem_shared>> -> memref<10240x128xf32, #tpu.memory_space<vmem_shared>>
        tpu.enqueue_indirect_dma source(%arg9 : memref<128x128xf32, #tpu.memory_space<vmem>>) target(%dma_start3A_127 : memref<10240x128xf32, #tpu.memory_space<vmem_shared>>) offsets(%dma_start3A_124 : memref<128xi32, #tpu.memory_space<vmem>>) semaphore(%run_scoped3A_121 : memref<!tpu.dma_semaphore, #tpu.memory_space<semaphore_mem>>) {add = true}
        %dma_wait3A_128 = arith.constant 0 : i32
        %dma_wait3A_129 = tpu.memref_slice %arg7[%run_scoped3A_112, %dma_wait3A_128] : memref<2x128xi32, #tpu.memory_space<vmem>> -> memref<1x128xi32, #tpu.memory_space<vmem>>
        %dma_wait3A_130 = tpu.memref_squeeze %dma_wait3A_129 : memref<1x128xi32, #tpu.memory_space<vmem>> -> memref<128xi32, #tpu.memory_space<vmem>>
        %dma_wait3A_131 = arith.constant 0 : i32
        %dma_wait3A_132 = arith.constant 0 : i32
        %dma_wait3A_133 = tpu.memref_slice %arg10[%dma_wait3A_131, %dma_wait3A_132] : memref<10240x128xf32, #tpu.memory_space<vmem_shared>> -> memref<10240x128xf32, #tpu.memory_space<vmem_shared>>
        tpu.wait_indirect_dma semaphore(%run_scoped3A_121 : memref<!tpu.dma_semaphore, #tpu.memory_space<semaphore_mem>>) src(%arg9 : memref<128x128xf32, #tpu.memory_space<vmem>>) dst(%dma_wait3A_133 : memref<10240x128xf32, #tpu.memory_space<vmem_shared>>)
        tpu.yield
      }) : () -> ()
      %add3A_113 = arith.constant 3 : i32
      %add3A_114 = arith.addi %mul3A_76, %add3A_113 : i32
      %lt3A_115 = arith.constant 80 : i32
      %lt3A_116 = arith.cmpi slt, %add3A_114, %lt3A_115 : i32
      %convert_element_type3A_117 = arith.extui %lt3A_116 : i1 to i32
      %cond3A_118 = arith.constant 0 : i32
      %cond3A_119 = arith.cmpi ne, %convert_element_type3A_117, %cond3A_118 : i32
      scf.if %cond3A_119 {
        %add3A_121 = arith.constant 3 : i32
        %add3A_122 = arith.addi %mul3A_76, %add3A_121 : i32
        %mul3A_123 = arith.constant 128 : i32
        %mul3A_124 = arith.muli %add3A_122, %mul3A_123 : i32
        %dma_start3A_125 = tpu.memref_slice %arg6[%mul3A_124] : memref<10240xi32, #tpu.memory_space<vmem>> -> memref<128xi32, #tpu.memory_space<vmem>>
        %dma_start3A_126 = arith.constant 0 : i32
        %dma_start3A_127 = arith.constant 0 : i32
        %dma_start3A_128 = tpu.memref_slice %arg2[%dma_start3A_126, %dma_start3A_127] : memref<10000x128xf32, #tpu.memory_space<hbm>> -> memref<10000x128xf32, #tpu.memory_space<hbm>>
        tpu.enqueue_indirect_dma source(%dma_start3A_128 : memref<10000x128xf32, #tpu.memory_space<hbm>>) target(%arg9 : memref<128x128xf32, #tpu.memory_space<vmem>>) offsets(%dma_start3A_125 : memref<128xi32, #tpu.memory_space<vmem>>) semaphore(%arg12 : memref<!tpu.dma_semaphore, #tpu.memory_space<semaphore_mem>>)
        %add3A_129 = arith.constant 3 : i32
        %add3A_130 = arith.addi %mul3A_76, %add3A_129 : i32
        %mul3A_131 = arith.constant 128 : i32
        %mul3A_132 = arith.muli %add3A_130, %mul3A_131 : i32
        %add3A_133 = arith.addi %mul3A_29, %mul3A_132 : i32
        %dma_start3A_134 = arith.constant 1 : i32
        %dma_start3A_135 = arith.constant 0 : i32
        %dma_start3A_136 = tpu.memref_slice %arg7[%dma_start3A_134, %dma_start3A_135] : memref<2x128xi32, #tpu.memory_space<vmem>> -> memref<1x128xi32, #tpu.memory_space<vmem>>
        %dma_start3A_137 = tpu.memref_squeeze %dma_start3A_136 : memref<1x128xi32, #tpu.memory_space<vmem>> -> memref<128xi32, #tpu.memory_space<vmem>>
        %dma_start3A_138 = tpu.memref_slice %arg4[%add3A_133] : memref<327680xi32, #tpu.memory_space<hbm>> -> memref<128xi32, #tpu.memory_space<hbm>>
        %dma_start3A_139 = arith.constant 0 : i32
        %dma_start3A_140 = tpu.memref_slice %arg7[%dma_start3A_134, %dma_start3A_139] : memref<2x128xi32, #tpu.memory_space<vmem>> -> memref<1x128xi32, #tpu.memory_space<vmem>>
        %dma_start3A_141 = tpu.memref_squeeze %dma_start3A_140 : memref<1x128xi32, #tpu.memory_space<vmem>> -> memref<128xi32, #tpu.memory_space<vmem>>
        %dma_start3A_142 = tpu.memref_slice %arg4[%add3A_133] : memref<327680xi32, #tpu.memory_space<hbm>> -> memref<128xi32, #tpu.memory_space<hbm>>
        tpu.enqueue_dma source(%dma_start3A_142 : memref<128xi32, #tpu.memory_space<hbm>>) target(%dma_start3A_141 : memref<128xi32, #tpu.memory_space<vmem>>) target_semaphore(%arg14 : memref<!tpu.dma_semaphore, #tpu.memory_space<semaphore_mem>>)
      } else {
      }
      %scan3A_120 = arith.constant 0 : i32
      scf.yield %scan3A_120 : i32
    }
    %scan3A_67 = arith.constant 40 : i32
    %barrier3A_68 = arith.constant 0 : index
    tpu.barrier barrier_id(%barrier3A_68)
    %mul3A_69 = arith.constant 640 : i32
    %mul3A_70 = arith.muli %arg1, %mul3A_69 : i32
    %mul3A_71 = arith.constant 640 : i32
    %mul3A_72 = arith.muli %arg1, %mul3A_71 : i32
    "tpu.region"() ({
      %run_scoped3A = tpu.sem_alloc : memref<!tpu.dma_semaphore, #tpu.memory_space<semaphore_mem>>
      %dma_start3A_73 = arith.constant 0 : i32
      %dma_start3A_74 = tpu.memref_slice %arg5[%arg0, %mul3A_72, %dma_start3A_73] : memref<2x10240x128xf32, #tpu.memory_space<hbm>> -> memref<1x640x128xf32, #tpu.memory_space<hbm>>
      %dma_start3A_75 = tpu.memref_squeeze %dma_start3A_74 : memref<1x640x128xf32, #tpu.memory_space<hbm>> -> memref<640x128xf32, #tpu.memory_space<hbm>>
      %dma_start3A_76 = arith.constant 0 : i32
      %dma_start3A_77 = tpu.memref_slice %arg10[%mul3A_70, %dma_start3A_76] : memref<10240x128xf32, #tpu.memory_space<vmem_shared>> -> memref<640x128xf32, #tpu.memory_space<vmem_shared>>
      tpu.enqueue_dma source(%dma_start3A_77 : memref<640x128xf32, #tpu.memory_space<vmem_shared>>) target(%dma_start3A_75 : memref<640x128xf32, #tpu.memory_space<hbm>>) target_semaphore(%run_scoped3A : memref<!tpu.dma_semaphore, #tpu.memory_space<semaphore_mem>>)
      %dma_wait3A = arith.constant 0 : i32
      %dma_wait3A_78 = tpu.memref_slice %arg5[%arg0, %mul3A_72, %dma_wait3A] : memref<2x10240x128xf32, #tpu.memory_space<hbm>> -> memref<1x640x128xf32, #tpu.memory_space<hbm>>
      %dma_wait3A_79 = tpu.memref_squeeze %dma_wait3A_78 : memref<1x640x128xf32, #tpu.memory_space<hbm>> -> memref<640x128xf32, #tpu.memory_space<hbm>>
      %dma_wait3A_80 = arith.constant 0 : i32
      %dma_wait3A_81 = tpu.memref_slice %arg10[%mul3A_70, %dma_wait3A_80] : memref<10240x128xf32, #tpu.memory_space<vmem_shared>> -> memref<640x128xf32, #tpu.memory_space<vmem_shared>>
      tpu.wait_dma2 semaphore(%run_scoped3A : memref<!tpu.dma_semaphore, #tpu.memory_space<semaphore_mem>>) src(%dma_wait3A_81 : memref<640x128xf32, #tpu.memory_space<vmem_shared>>) dst(%dma_wait3A_79 : memref<640x128xf32, #tpu.memory_space<hbm>>)
      tpu.yield
    }) : () -> ()
    return
  }
}

#map = affine_map<(d0, d1) -> (0, 0)>
#map1 = affine_map<(d0, d1) -> (0)>
#map2 = affine_map<(d0, d1) -> (0, 0, 0)>
module attributes {stable_mosaic.version = 14 : i64} {
  func.func @_spmm_kernel(%arg0: i32, %arg1: i32, %arg2: memref<10000x128xf32, #tpu.memory_space<hbm>>, %arg3: memref<327680xi32, #tpu.memory_space<hbm>>, %arg4: memref<327680xi32, #tpu.memory_space<hbm>>, %arg5: memref<2x10240x128xf32, #tpu.memory_space<hbm>>, %arg6: memref<10240xi32, #tpu.memory_space<vmem>>, %arg7: memref<2x128xi32, #tpu.memory_space<vmem>>, %arg8: memref<128x128xf32, #tpu.memory_space<vmem>>, %arg9: memref<128x128xf32, #tpu.memory_space<vmem>>, %arg10: memref<10240x128xf32, #tpu.memory_space<vmem_shared>>, %arg11: memref<!tpu.dma_semaphore, #tpu.memory_space<semaphore_mem>>, %arg12: memref<!tpu.dma_semaphore, #tpu.memory_space<semaphore_mem>>, %arg13: memref<!tpu.dma_semaphore, #tpu.memory_space<semaphore_mem>>, %arg14: memref<!tpu.dma_semaphore, #tpu.memory_space<semaphore_mem>>) attributes {dimension_semantics = [#tpu.dimension_semantics<core_parallel>, #tpu.dimension_semantics<subcore_parallel>], iteration_bounds = array<i64: 2, 16>, scalar_prefetch = 0 : i64, scratch_operands = 9 : i64, tpu.core_type = #tpu.core_type<sc_vector_subcore>, window_params = [{transform_indices = #map}, {transform_indices = #map1}, {transform_indices = #map1}, {transform_indices = #map2}]} {
    %mul3A = arith.constant 2 : i32
    %mul3A_0 = arith.muli %arg1, %mul3A : i32
    %add3A = arith.addi %mul3A_0, %arg0 : i32
    %broadcast_in_dim3A = arith.constant 0.000000e+00 : f32
    %broadcast_in_dim3A_1 = vector.broadcast %broadcast_in_dim3A : f32 to vector<16xf32>
    %scan3A = arith.constant 0 : i32
    %scan3A_2 = arith.constant 0 : i32
    %scan3A_3 = arith.constant 128 : i32
    %scan3A_4 = arith.addi %scan3A_2, %scan3A_3 : i32
    %scan3A_5 = arith.constant 1 : i32
    %scan3A_6 = scf.for %scan3A_73 = %scan3A_2 to %scan3A_4 step %scan3A_5 iter_args(%scan3A_74 = %scan3A) -> (i32)  : i32 {
      %swap3A = arith.index_cast %scan3A_73 : i32 to index
      %swap3A_75 = arith.constant 0 : index
      %swap3A_76 = tpu.vector_load %arg8[%swap3A, %swap3A_75] {strides = array<i32>} : memref<128x128xf32, #tpu.memory_space<vmem>>, vector<1x16xf32>,
      %swap3A_77 = vector.shape_cast %swap3A_76 : vector<1x16xf32> to vector<16xf32>
      %swap3A_78 = vector.shape_cast %broadcast_in_dim3A_1 : vector<16xf32> to vector<1x16xf32>
      tpu.vector_store %arg8[%swap3A, %swap3A_75], %swap3A_78 {strides = array<i32>} : memref<128x128xf32, #tpu.memory_space<vmem>>, vector<1x16xf32>,
      %swap3A_79 = arith.index_cast %scan3A_73 : i32 to index
      %swap3A_80 = arith.constant 16 : index
      %swap3A_81 = tpu.vector_load %arg8[%swap3A_79, %swap3A_80] {strides = array<i32>} : memref<128x128xf32, #tpu.memory_space<vmem>>, vector<1x16xf32>,
      %swap3A_82 = vector.shape_cast %swap3A_81 : vector<1x16xf32> to vector<16xf32>
      %swap3A_83 = vector.shape_cast %broadcast_in_dim3A_1 : vector<16xf32> to vector<1x16xf32>
      tpu.vector_store %arg8[%swap3A_79, %swap3A_80], %swap3A_83 {strides = array<i32>} : memref<128x128xf32, #tpu.memory_space<vmem>>, vector<1x16xf32>,
      %swap3A_84 = arith.index_cast %scan3A_73 : i32 to index
      %swap3A_85 = arith.constant 32 : index
      %swap3A_86 = tpu.vector_load %arg8[%swap3A_84, %swap3A_85] {strides = array<i32>} : memref<128x128xf32, #tpu.memory_space<vmem>>, vector<1x16xf32>,
      %swap3A_87 = vector.shape_cast %swap3A_86 : vector<1x16xf32> to vector<16xf32>
      %swap3A_88 = vector.shape_cast %broadcast_in_dim3A_1 : vector<16xf32> to vector<1x16xf32>
      tpu.vector_store %arg8[%swap3A_84, %swap3A_85], %swap3A_88 {strides = array<i32>} : memref<128x128xf32, #tpu.memory_space<vmem>>, vector<1x16xf32>,
      %swap3A_89 = arith.index_cast %scan3A_73 : i32 to index
      %swap3A_90 = arith.constant 48 : index
      %swap3A_91 = tpu.vector_load %arg8[%swap3A_89, %swap3A_90] {strides = array<i32>} : memref<128x128xf32, #tpu.memory_space<vmem>>, vector<1x16xf32>,
      %swap3A_92 = vector.shape_cast %swap3A_91 : vector<1x16xf32> to vector<16xf32>
      %swap3A_93 = vector.shape_cast %broadcast_in_dim3A_1 : vector<16xf32> to vector<1x16xf32>
      tpu.vector_store %arg8[%swap3A_89, %swap3A_90], %swap3A_93 {strides = array<i32>} : memref<128x128xf32, #tpu.memory_space<vmem>>, vector<1x16xf32>,
      %swap3A_94 = arith.index_cast %scan3A_73 : i32 to index
      %swap3A_95 = arith.constant 64 : index
      %swap3A_96 = tpu.vector_load %arg8[%swap3A_94, %swap3A_95] {strides = array<i32>} : memref<128x128xf32, #tpu.memory_space<vmem>>, vector<1x16xf32>,
      %swap3A_97 = vector.shape_cast %swap3A_96 : vector<1x16xf32> to vector<16xf32>
      %swap3A_98 = vector.shape_cast %broadcast_in_dim3A_1 : vector<16xf32> to vector<1x16xf32>
      tpu.vector_store %arg8[%swap3A_94, %swap3A_95], %swap3A_98 {strides = array<i32>} : memref<128x128xf32, #tpu.memory_space<vmem>>, vector<1x16xf32>,
      %swap3A_99 = arith.index_cast %scan3A_73 : i32 to index
      %swap3A_100 = arith.constant 80 : index
      %swap3A_101 = tpu.vector_load %arg8[%swap3A_99, %swap3A_100] {strides = array<i32>} : memref<128x128xf32, #tpu.memory_space<vmem>>, vector<1x16xf32>,
      %swap3A_102 = vector.shape_cast %swap3A_101 : vector<1x16xf32> to vector<16xf32>
      %swap3A_103 = vector.shape_cast %broadcast_in_dim3A_1 : vector<16xf32> to vector<1x16xf32>
      tpu.vector_store %arg8[%swap3A_99, %swap3A_100], %swap3A_103 {strides = array<i32>} : memref<128x128xf32, #tpu.memory_space<vmem>>, vector<1x16xf32>,
      %swap3A_104 = arith.index_cast %scan3A_73 : i32 to index
      %swap3A_105 = arith.constant 96 : index
      %swap3A_106 = tpu.vector_load %arg8[%swap3A_104, %swap3A_105] {strides = array<i32>} : memref<128x128xf32, #tpu.memory_space<vmem>>, vector<1x16xf32>,
      %swap3A_107 = vector.shape_cast %swap3A_106 : vector<1x16xf32> to vector<16xf32>
      %swap3A_108 = vector.shape_cast %broadcast_in_dim3A_1 : vector<16xf32> to vector<1x16xf32>
      tpu.vector_store %arg8[%swap3A_104, %swap3A_105], %swap3A_108 {strides = array<i32>} : memref<128x128xf32, #tpu.memory_space<vmem>>, vector<1x16xf32>,
      %swap3A_109 = arith.index_cast %scan3A_73 : i32 to index
      %swap3A_110 = arith.constant 112 : index
      %swap3A_111 = tpu.vector_load %arg8[%swap3A_109, %swap3A_110] {strides = array<i32>} : memref<128x128xf32, #tpu.memory_space<vmem>>, vector<1x16xf32>,
      %swap3A_112 = vector.shape_cast %swap3A_111 : vector<1x16xf32> to vector<16xf32>
      %swap3A_113 = vector.shape_cast %broadcast_in_dim3A_1 : vector<16xf32> to vector<1x16xf32>
      tpu.vector_store %arg8[%swap3A_109, %swap3A_110], %swap3A_113 {strides = array<i32>} : memref<128x128xf32, #tpu.memory_space<vmem>>, vector<1x16xf32>,
      %scan3A_114 = arith.constant 0 : i32
      scf.yield %scan3A_114 : i32
    }
    %scan3A_7 = arith.constant 128 : i32
    %mul3A_8 = arith.constant 640 : i32
    %mul3A_9 = arith.muli %arg1, %mul3A_8 : i32
    %add3A_10 = arith.constant 0 : i32
    %add3A_11 = arith.addi %mul3A_9, %add3A_10 : i32
    "tpu.region"() ({
      %run_scoped3A = tpu.sem_alloc : memref<!tpu.dma_semaphore, #tpu.memory_space<semaphore_mem>>
      %dma_start3A_73 = arith.constant 0 : i32
      %dma_start3A_74 = tpu.memref_slice %arg10[%add3A_11, %dma_start3A_73] : memref<10240x128xf32, #tpu.memory_space<vmem_shared>> -> memref<128x128xf32, #tpu.memory_space<vmem_shared>>
      %dma_start3A_75 = arith.constant 0 : i32
      %dma_start3A_76 = tpu.memref_slice %arg10[%add3A_11, %dma_start3A_75] : memref<10240x128xf32, #tpu.memory_space<vmem_shared>> -> memref<128x128xf32, #tpu.memory_space<vmem_shared>>
      tpu.enqueue_dma source(%arg8 : memref<128x128xf32, #tpu.memory_space<vmem>>) target(%dma_start3A_76 : memref<128x128xf32, #tpu.memory_space<vmem_shared>>) target_semaphore(%run_scoped3A : memref<!tpu.dma_semaphore, #tpu.memory_space<semaphore_mem>>)
      %dma_wait3A = arith.constant 0 : i32
      %dma_wait3A_77 = tpu.memref_slice %arg10[%add3A_11, %dma_wait3A] : memref<10240x128xf32, #tpu.memory_space<vmem_shared>> -> memref<128x128xf32, #tpu.memory_space<vmem_shared>>
      %dma_wait3A_78 = arith.constant 0 : i32
      %dma_wait3A_79 = tpu.memref_slice %arg10[%add3A_11, %dma_wait3A_78] : memref<10240x128xf32, #tpu.memory_space<vmem_shared>> -> memref<128x128xf32, #tpu.memory_space<vmem_shared>>
      tpu.wait_dma2 semaphore(%run_scoped3A : memref<!tpu.dma_semaphore, #tpu.memory_space<semaphore_mem>>) src(%arg8 : memref<128x128xf32, #tpu.memory_space<vmem>>) dst(%dma_wait3A_79 : memref<128x128xf32, #tpu.memory_space<vmem_shared>>)
      tpu.yield
    }) : () -> ()
    %mul3A_12 = arith.constant 640 : i32
    %mul3A_13 = arith.muli %arg1, %mul3A_12 : i32
    %add3A_14 = arith.constant 128 : i32
    %add3A_15 = arith.addi %mul3A_13, %add3A_14 : i32
    "tpu.region"() ({
      %run_scoped3A = tpu.sem_alloc : memref<!tpu.dma_semaphore, #tpu.memory_space<semaphore_mem>>
      %dma_start3A_73 = arith.constant 0 : i32
      %dma_start3A_74 = tpu.memref_slice %arg10[%add3A_15, %dma_start3A_73] : memref<10240x128xf32, #tpu.memory_space<vmem_shared>> -> memref<128x128xf32, #tpu.memory_space<vmem_shared>>
      %dma_start3A_75 = arith.constant 0 : i32
      %dma_start3A_76 = tpu.memref_slice %arg10[%add3A_15, %dma_start3A_75] : memref<10240x128xf32, #tpu.memory_space<vmem_shared>> -> memref<128x128xf32, #tpu.memory_space<vmem_shared>>
      tpu.enqueue_dma source(%arg8 : memref<128x128xf32, #tpu.memory_space<vmem>>) target(%dma_start3A_76 : memref<128x128xf32, #tpu.memory_space<vmem_shared>>) target_semaphore(%run_scoped3A : memref<!tpu.dma_semaphore, #tpu.memory_space<semaphore_mem>>)
      %dma_wait3A = arith.constant 0 : i32
      %dma_wait3A_77 = tpu.memref_slice %arg10[%add3A_15, %dma_wait3A] : memref<10240x128xf32, #tpu.memory_space<vmem_shared>> -> memref<128x128xf32, #tpu.memory_space<vmem_shared>>
      %dma_wait3A_78 = arith.constant 0 : i32
      %dma_wait3A_79 = tpu.memref_slice %arg10[%add3A_15, %dma_wait3A_78] : memref<10240x128xf32, #tpu.memory_space<vmem_shared>> -> memref<128x128xf32, #tpu.memory_space<vmem_shared>>
      tpu.wait_dma2 semaphore(%run_scoped3A : memref<!tpu.dma_semaphore, #tpu.memory_space<semaphore_mem>>) src(%arg8 : memref<128x128xf32, #tpu.memory_space<vmem>>) dst(%dma_wait3A_79 : memref<128x128xf32, #tpu.memory_space<vmem_shared>>)
      tpu.yield
    }) : () -> ()
    %mul3A_16 = arith.constant 640 : i32
    %mul3A_17 = arith.muli %arg1, %mul3A_16 : i32
    %add3A_18 = arith.constant 256 : i32
    %add3A_19 = arith.addi %mul3A_17, %add3A_18 : i32
    "tpu.region"() ({
      %run_scoped3A = tpu.sem_alloc : memref<!tpu.dma_semaphore, #tpu.memory_space<semaphore_mem>>
      %dma_start3A_73 = arith.constant 0 : i32
      %dma_start3A_74 = tpu.memref_slice %arg10[%add3A_19, %dma_start3A_73] : memref<10240x128xf32, #tpu.memory_space<vmem_shared>> -> memref<128x128xf32, #tpu.memory_space<vmem_shared>>
      %dma_start3A_75 = arith.constant 0 : i32
      %dma_start3A_76 = tpu.memref_slice %arg10[%add3A_19, %dma_start3A_75] : memref<10240x128xf32, #tpu.memory_space<vmem_shared>> -> memref<128x128xf32, #tpu.memory_space<vmem_shared>>
      tpu.enqueue_dma source(%arg8 : memref<128x128xf32, #tpu.memory_space<vmem>>) target(%dma_start3A_76 : memref<128x128xf32, #tpu.memory_space<vmem_shared>>) target_semaphore(%run_scoped3A : memref<!tpu.dma_semaphore, #tpu.memory_space<semaphore_mem>>)
      %dma_wait3A = arith.constant 0 : i32
      %dma_wait3A_77 = tpu.memref_slice %arg10[%add3A_19, %dma_wait3A] : memref<10240x128xf32, #tpu.memory_space<vmem_shared>> -> memref<128x128xf32, #tpu.memory_space<vmem_shared>>
      %dma_wait3A_78 = arith.constant 0 : i32
      %dma_wait3A_79 = tpu.memref_slice %arg10[%add3A_19, %dma_wait3A_78] : memref<10240x128xf32, #tpu.memory_space<vmem_shared>> -> memref<128x128xf32, #tpu.memory_space<vmem_shared>>
      tpu.wait_dma2 semaphore(%run_scoped3A : memref<!tpu.dma_semaphore, #tpu.memory_space<semaphore_mem>>) src(%arg8 : memref<128x128xf32, #tpu.memory_space<vmem>>) dst(%dma_wait3A_79 : memref<128x128xf32, #tpu.memory_space<vmem_shared>>)
      tpu.yield
    }) : () -> ()
    %mul3A_20 = arith.constant 640 : i32
    %mul3A_21 = arith.muli %arg1, %mul3A_20 : i32
    %add3A_22 = arith.constant 384 : i32
    %add3A_23 = arith.addi %mul3A_21, %add3A_22 : i32
    "tpu.region"() ({
      %run_scoped3A = tpu.sem_alloc : memref<!tpu.dma_semaphore, #tpu.memory_space<semaphore_mem>>
      %dma_start3A_73 = arith.constant 0 : i32
      %dma_start3A_74 = tpu.memref_slice %arg10[%add3A_23, %dma_start3A_73] : memref<10240x128xf32, #tpu.memory_space<vmem_shared>> -> memref<128x128xf32, #tpu.memory_space<vmem_shared>>
      %dma_start3A_75 = arith.constant 0 : i32
      %dma_start3A_76 = tpu.memref_slice %arg10[%add3A_23, %dma_start3A_75] : memref<10240x128xf32, #tpu.memory_space<vmem_shared>> -> memref<128x128xf32, #tpu.memory_space<vmem_shared>>
      tpu.enqueue_dma source(%arg8 : memref<128x128xf32, #tpu.memory_space<vmem>>) target(%dma_start3A_76 : memref<128x128xf32, #tpu.memory_space<vmem_shared>>) target_semaphore(%run_scoped3A : memref<!tpu.dma_semaphore, #tpu.memory_space<semaphore_mem>>)
      %dma_wait3A = arith.constant 0 : i32
      %dma_wait3A_77 = tpu.memref_slice %arg10[%add3A_23, %dma_wait3A] : memref<10240x128xf32, #tpu.memory_space<vmem_shared>> -> memref<128x128xf32, #tpu.memory_space<vmem_shared>>
      %dma_wait3A_78 = arith.constant 0 : i32
      %dma_wait3A_79 = tpu.memref_slice %arg10[%add3A_23, %dma_wait3A_78] : memref<10240x128xf32, #tpu.memory_space<vmem_shared>> -> memref<128x128xf32, #tpu.memory_space<vmem_shared>>
      tpu.wait_dma2 semaphore(%run_scoped3A : memref<!tpu.dma_semaphore, #tpu.memory_space<semaphore_mem>>) src(%arg8 : memref<128x128xf32, #tpu.memory_space<vmem>>) dst(%dma_wait3A_79 : memref<128x128xf32, #tpu.memory_space<vmem_shared>>)
      tpu.yield
    }) : () -> ()
    %mul3A_24 = arith.constant 640 : i32
    %mul3A_25 = arith.muli %arg1, %mul3A_24 : i32
    %add3A_26 = arith.constant 512 : i32
    %add3A_27 = arith.addi %mul3A_25, %add3A_26 : i32
    "tpu.region"() ({
      %run_scoped3A = tpu.sem_alloc : memref<!tpu.dma_semaphore, #tpu.memory_space<semaphore_mem>>
      %dma_start3A_73 = arith.constant 0 : i32
      %dma_start3A_74 = tpu.memref_slice %arg10[%add3A_27, %dma_start3A_73] : memref<10240x128xf32, #tpu.memory_space<vmem_shared>> -> memref<128x128xf32, #tpu.memory_space<vmem_shared>>
      %dma_start3A_75 = arith.constant 0 : i32
      %dma_start3A_76 = tpu.memref_slice %arg10[%add3A_27, %dma_start3A_75] : memref<10240x128xf32, #tpu.memory_space<vmem_shared>> -> memref<128x128xf32, #tpu.memory_space<vmem_shared>>
      tpu.enqueue_dma source(%arg8 : memref<128x128xf32, #tpu.memory_space<vmem>>) target(%dma_start3A_76 : memref<128x128xf32, #tpu.memory_space<vmem_shared>>) target_semaphore(%run_scoped3A : memref<!tpu.dma_semaphore, #tpu.memory_space<semaphore_mem>>)
      %dma_wait3A = arith.constant 0 : i32
      %dma_wait3A_77 = tpu.memref_slice %arg10[%add3A_27, %dma_wait3A] : memref<10240x128xf32, #tpu.memory_space<vmem_shared>> -> memref<128x128xf32, #tpu.memory_space<vmem_shared>>
      %dma_wait3A_78 = arith.constant 0 : i32
      %dma_wait3A_79 = tpu.memref_slice %arg10[%add3A_27, %dma_wait3A_78] : memref<10240x128xf32, #tpu.memory_space<vmem_shared>> -> memref<128x128xf32, #tpu.memory_space<vmem_shared>>
      tpu.wait_dma2 semaphore(%run_scoped3A : memref<!tpu.dma_semaphore, #tpu.memory_space<semaphore_mem>>) src(%arg8 : memref<128x128xf32, #tpu.memory_space<vmem>>) dst(%dma_wait3A_79 : memref<128x128xf32, #tpu.memory_space<vmem_shared>>)
      tpu.yield
    }) : () -> ()
    %mul3A_28 = arith.constant 10240 : i32
    %mul3A_29 = arith.muli %add3A, %mul3A_28 : i32
    "tpu.region"() ({
      %run_scoped3A = tpu.sem_alloc : memref<!tpu.dma_semaphore, #tpu.memory_space<semaphore_mem>>
      %dma_start3A_73 = tpu.memref_slice %arg3[%mul3A_29] : memref<327680xi32, #tpu.memory_space<hbm>> -> memref<10240xi32, #tpu.memory_space<hbm>>
      %dma_start3A_74 = tpu.memref_slice %arg3[%mul3A_29] : memref<327680xi32, #tpu.memory_space<hbm>> -> memref<10240xi32, #tpu.memory_space<hbm>>
      tpu.enqueue_dma source(%dma_start3A_74 : memref<10240xi32, #tpu.memory_space<hbm>>) target(%arg6 : memref<10240xi32, #tpu.memory_space<vmem>>) target_semaphore(%run_scoped3A : memref<!tpu.dma_semaphore, #tpu.memory_space<semaphore_mem>>)
      %dma_wait3A = tpu.memref_slice %arg3[%mul3A_29] : memref<327680xi32, #tpu.memory_space<hbm>> -> memref<10240xi32, #tpu.memory_space<hbm>>
      %dma_wait3A_75 = tpu.memref_slice %arg3[%mul3A_29] : memref<327680xi32, #tpu.memory_space<hbm>> -> memref<10240xi32, #tpu.memory_space<hbm>>
      tpu.wait_dma2 semaphore(%run_scoped3A : memref<!tpu.dma_semaphore, #tpu.memory_space<semaphore_mem>>) src(%dma_wait3A_75 : memref<10240xi32, #tpu.memory_space<hbm>>) dst(%arg6 : memref<10240xi32, #tpu.memory_space<vmem>>)
      tpu.yield
    }) : () -> ()
    %barrier3A = arith.constant 0 : index
    tpu.barrier barrier_id(%barrier3A)
    %dma_start3A = arith.constant 0 : i32
    %dma_start3A_30 = tpu.memref_slice %arg6[%dma_start3A] : memref<10240xi32, #tpu.memory_space<vmem>> -> memref<128xi32, #tpu.memory_space<vmem>>
    %dma_start3A_31 = arith.constant 0 : i32
    %dma_start3A_32 = arith.constant 0 : i32
    %dma_start3A_33 = tpu.memref_slice %arg2[%dma_start3A_31, %dma_start3A_32] : memref<10000x128xf32, #tpu.memory_space<hbm>> -> memref<10000x128xf32, #tpu.memory_space<hbm>>
    tpu.enqueue_indirect_dma source(%dma_start3A_33 : memref<10000x128xf32, #tpu.memory_space<hbm>>) target(%arg8 : memref<128x128xf32, #tpu.memory_space<vmem>>) offsets(%dma_start3A_30 : memref<128xi32, #tpu.memory_space<vmem>>) semaphore(%arg11 : memref<!tpu.dma_semaphore, #tpu.memory_space<semaphore_mem>>)
    %add3A_34 = arith.constant 0 : i32
    %add3A_35 = arith.addi %mul3A_29, %add3A_34 : i32
    %dma_start3A_36 = arith.constant 0 : i32
    %dma_start3A_37 = arith.constant 0 : i32
    %dma_start3A_38 = tpu.memref_slice %arg7[%dma_start3A_36, %dma_start3A_37] : memref<2x128xi32, #tpu.memory_space<vmem>> -> memref<1x128xi32, #tpu.memory_space<vmem>>
    %dma_start3A_39 = tpu.memref_squeeze %dma_start3A_38 : memref<1x128xi32, #tpu.memory_space<vmem>> -> memref<128xi32, #tpu.memory_space<vmem>>
    %dma_start3A_40 = tpu.memref_slice %arg4[%add3A_35] : memref<327680xi32, #tpu.memory_space<hbm>> -> memref<128xi32, #tpu.memory_space<hbm>>
    %dma_start3A_41 = arith.constant 0 : i32
    %dma_start3A_42 = tpu.memref_slice %arg7[%dma_start3A_36, %dma_start3A_41] : memref<2x128xi32, #tpu.memory_space<vmem>> -> memref<1x128xi32, #tpu.memory_space<vmem>>
    %dma_start3A_43 = tpu.memref_squeeze %dma_start3A_42 : memref<1x128xi32, #tpu.memory_space<vmem>> -> memref<128xi32, #tpu.memory_space<vmem>>
    %dma_start3A_44 = tpu.memref_slice %arg4[%add3A_35] : memref<327680xi32, #tpu.memory_space<hbm>> -> memref<128xi32, #tpu.memory_space<hbm>>
    tpu.enqueue_dma source(%dma_start3A_44 : memref<128xi32, #tpu.memory_space<hbm>>) target(%dma_start3A_43 : memref<128xi32, #tpu.memory_space<vmem>>) target_semaphore(%arg13 : memref<!tpu.dma_semaphore, #tpu.memory_space<semaphore_mem>>)
    %dma_start3A_45 = arith.constant 128 : i32
    %dma_start3A_46 = tpu.memref_slice %arg6[%dma_start3A_45] : memref<10240xi32, #tpu.memory_space<vmem>> -> memref<128xi32, #tpu.memory_space<vmem>>
    %dma_start3A_47 = arith.constant 0 : i32
    %dma_start3A_48 = arith.constant 0 : i32
    %dma_start3A_49 = tpu.memref_slice %arg2[%dma_start3A_47, %dma_start3A_48] : memref<10000x128xf32, #tpu.memory_space<hbm>> -> memref<10000x128xf32, #tpu.memory_space<hbm>>
    tpu.enqueue_indirect_dma source(%dma_start3A_49 : memref<10000x128xf32, #tpu.memory_space<hbm>>) target(%arg9 : memref<128x128xf32, #tpu.memory_space<vmem>>) offsets(%dma_start3A_46 : memref<128xi32, #tpu.memory_space<vmem>>) semaphore(%arg12 : memref<!tpu.dma_semaphore, #tpu.memory_space<semaphore_mem>>)
    %add3A_50 = arith.constant 128 : i32
    %add3A_51 = arith.addi %mul3A_29, %add3A_50 : i32
    %dma_start3A_52 = arith.constant 1 : i32
    %dma_start3A_53 = arith.constant 0 : i32
    %dma_start3A_54 = tpu.memref_slice %arg7[%dma_start3A_52, %dma_start3A_53] : memref<2x128xi32, #tpu.memory_space<vmem>> -> memref<1x128xi32, #tpu.memory_space<vmem>>
    %dma_start3A_55 = tpu.memref_squeeze %dma_start3A_54 : memref<1x128xi32, #tpu.memory_space<vmem>> -> memref<128xi32, #tpu.memory_space<vmem>>
    %dma_start3A_56 = tpu.memref_slice %arg4[%add3A_51] : memref<327680xi32, #tpu.memory_space<hbm>> -> memref<128xi32, #tpu.memory_space<hbm>>
    %dma_start3A_57 = arith.constant 0 : i32
    %dma_start3A_58 = tpu.memref_slice %arg7[%dma_start3A_52, %dma_start3A_57] : memref<2x128xi32, #tpu.memory_space<vmem>> -> memref<1x128xi32, #tpu.memory_space<vmem>>
    %dma_start3A_59 = tpu.memref_squeeze %dma_start3A_58 : memref<1x128xi32, #tpu.memory_space<vmem>> -> memref<128xi32, #tpu.memory_space<vmem>>
    %dma_start3A_60 = tpu.memref_slice %arg4[%add3A_51] : memref<327680xi32, #tpu.memory_space<hbm>> -> memref<128xi32, #tpu.memory_space<hbm>>
    tpu.enqueue_dma source(%dma_start3A_60 : memref<128xi32, #tpu.memory_space<hbm>>) target(%dma_start3A_59 : memref<128xi32, #tpu.memory_space<vmem>>) target_semaphore(%arg14 : memref<!tpu.dma_semaphore, #tpu.memory_space<semaphore_mem>>)
    %scan3A_61 = arith.constant 0 : i32
    %scan3A_62 = arith.constant 0 : i32
    %scan3A_63 = arith.constant 40 : i32
    %scan3A_64 = arith.addi %scan3A_62, %scan3A_63 : i32
    %scan3A_65 = arith.constant 1 : i32
    %scan3A_66 = scf.for %scan3A_73 = %scan3A_62 to %scan3A_64 step %scan3A_65 iter_args(%scan3A_74 = %scan3A_61) -> (i32)  : i32 {
      %mul3A_75 = arith.constant 2 : i32
      %mul3A_76 = arith.muli %mul3A_75, %scan3A_73 : i32
      %dma_wait3A = arith.constant 0 : i32
      %dma_wait3A_77 = tpu.memref_slice %arg6[%dma_wait3A] : memref<10240xi32, #tpu.memory_space<vmem>> -> memref<128xi32, #tpu.memory_space<vmem>>
      %dma_wait3A_78 = arith.constant 0 : i32
      %dma_wait3A_79 = arith.constant 0 : i32
      %dma_wait3A_80 = tpu.memref_slice %arg2[%dma_wait3A_78, %dma_wait3A_79] : memref<10000x128xf32, #tpu.memory_space<hbm>> -> memref<10000x128xf32, #tpu.memory_space<hbm>>
      tpu.wait_indirect_dma semaphore(%arg11 : memref<!tpu.dma_semaphore, #tpu.memory_space<semaphore_mem>>) src(%dma_wait3A_80 : memref<10000x128xf32, #tpu.memory_space<hbm>>) dst(%arg8 : memref<128x128xf32, #tpu.memory_space<vmem>>)
      %dma_wait3A_81 = arith.constant 0 : i32
      %dma_wait3A_82 = arith.constant 0 : i32
      %dma_wait3A_83 = tpu.memref_slice %arg7[%dma_wait3A_81, %dma_wait3A_82] : memref<2x128xi32, #tpu.memory_space<vmem>> -> memref<1x128xi32, #tpu.memory_space<vmem>>
      %dma_wait3A_84 = tpu.memref_squeeze %dma_wait3A_83 : memref<1x128xi32, #tpu.memory_space<vmem>> -> memref<128xi32, #tpu.memory_space<vmem>>
      %dma_wait3A_85 = arith.constant 0 : i32
      %dma_wait3A_86 = tpu.memref_slice %arg4[%dma_wait3A_85] : memref<327680xi32, #tpu.memory_space<hbm>> -> memref<128xi32, #tpu.memory_space<hbm>>
      %dma_wait3A_87 = arith.constant 0 : i32
      %dma_wait3A_88 = tpu.memref_slice %arg7[%dma_wait3A_81, %dma_wait3A_87] : memref<2x128xi32, #tpu.memory_space<vmem>> -> memref<1x128xi32, #tpu.memory_space<vmem>>
      %dma_wait3A_89 = tpu.memref_squeeze %dma_wait3A_88 : memref<1x128xi32, #tpu.memory_space<vmem>> -> memref<128xi32, #tpu.memory_space<vmem>>
      %dma_wait3A_90 = arith.constant 0 : i32
      %dma_wait3A_91 = tpu.memref_slice %arg4[%dma_wait3A_90] : memref<327680xi32, #tpu.memory_space<hbm>> -> memref<128xi32, #tpu.memory_space<hbm>>
      tpu.wait_dma2 semaphore(%arg13 : memref<!tpu.dma_semaphore, #tpu.memory_space<semaphore_mem>>) src(%dma_wait3A_91 : memref<128xi32, #tpu.memory_space<hbm>>) dst(%dma_wait3A_89 : memref<128xi32, #tpu.memory_space<vmem>>)
      %run_scoped3A = arith.constant 0 : i32
      "tpu.region"() ({
        %run_scoped3A_121 = tpu.sem_alloc : memref<!tpu.dma_semaphore, #tpu.memory_space<semaphore_mem>>
        %dma_start3A_122 = arith.constant 0 : i32
        %dma_start3A_123 = tpu.memref_slice %arg7[%run_scoped3A, %dma_start3A_122] : memref<2x128xi32, #tpu.memory_space<vmem>> -> memref<1x128xi32, #tpu.memory_space<vmem>>
        %dma_start3A_124 = tpu.memref_squeeze %dma_start3A_123 : memref<1x128xi32, #tpu.memory_space<vmem>> -> memref<128xi32, #tpu.memory_space<vmem>>
        %dma_start3A_125 = arith.constant 0 : i32
        %dma_start3A_126 = arith.constant 0 : i32
        %dma_start3A_127 = tpu.memref_slice %arg10[%dma_start3A_125, %dma_start3A_126] : memref<10240x128xf32, #tpu.memory_space<vmem_shared>> -> memref<10240x128xf32, #tpu.memory_space<vmem_shared>>
        tpu.enqueue_indirect_dma source(%arg8 : memref<128x128xf32, #tpu.memory_space<vmem>>) target(%dma_start3A_127 : memref<10240x128xf32, #tpu.memory_space<vmem_shared>>) offsets(%dma_start3A_124 : memref<128xi32, #tpu.memory_space<vmem>>) semaphore(%run_scoped3A_121 : memref<!tpu.dma_semaphore, #tpu.memory_space<semaphore_mem>>) {add = true}
        %dma_wait3A_128 = arith.constant 0 : i32
        %dma_wait3A_129 = tpu.memref_slice %arg7[%run_scoped3A, %dma_wait3A_128] : memref<2x128xi32, #tpu.memory_space<vmem>> -> memref<1x128xi32, #tpu.memory_space<vmem>>
        %dma_wait3A_130 = tpu.memref_squeeze %dma_wait3A_129 : memref<1x128xi32, #tpu.memory_space<vmem>> -> memref<128xi32, #tpu.memory_space<vmem>>
        %dma_wait3A_131 = arith.constant 0 : i32
        %dma_wait3A_132 = arith.constant 0 : i32
        %dma_wait3A_133 = tpu.memref_slice %arg10[%dma_wait3A_131, %dma_wait3A_132] : memref<10240x128xf32, #tpu.memory_space<vmem_shared>> -> memref<10240x128xf32, #tpu.memory_space<vmem_shared>>
        tpu.wait_indirect_dma semaphore(%run_scoped3A_121 : memref<!tpu.dma_semaphore, #tpu.memory_space<semaphore_mem>>) src(%arg8 : memref<128x128xf32, #tpu.memory_space<vmem>>) dst(%dma_wait3A_133 : memref<10240x128xf32, #tpu.memory_space<vmem_shared>>)
        tpu.yield
      }) : () -> ()
      %add3A_92 = arith.constant 2 : i32
      %add3A_93 = arith.addi %mul3A_76, %add3A_92 : i32
      %lt3A = arith.constant 80 : i32
      %lt3A_94 = arith.cmpi slt, %add3A_93, %lt3A : i32
      %convert_element_type3A = arith.extui %lt3A_94 : i1 to i32
      %cond3A = arith.constant 0 : i32
      %cond3A_95 = arith.cmpi ne, %convert_element_type3A, %cond3A : i32
      scf.if %cond3A_95 {
        %add3A_121 = arith.constant 2 : i32
        %add3A_122 = arith.addi %mul3A_76, %add3A_121 : i32
        %mul3A_123 = arith.constant 128 : i32
        %mul3A_124 = arith.muli %add3A_122, %mul3A_123 : i32
        %dma_start3A_125 = tpu.memref_slice %arg6[%mul3A_124] : memref<10240xi32, #tpu.memory_space<vmem>> -> memref<128xi32, #tpu.memory_space<vmem>>
        %dma_start3A_126 = arith.constant 0 : i32
        %dma_start3A_127 = arith.constant 0 : i32
        %dma_start3A_128 = tpu.memref_slice %arg2[%dma_start3A_126, %dma_start3A_127] : memref<10000x128xf32, #tpu.memory_space<hbm>> -> memref<10000x128xf32, #tpu.memory_space<hbm>>
        tpu.enqueue_indirect_dma source(%dma_start3A_128 : memref<10000x128xf32, #tpu.memory_space<hbm>>) target(%arg8 : memref<128x128xf32, #tpu.memory_space<vmem>>) offsets(%dma_start3A_125 : memref<128xi32, #tpu.memory_space<vmem>>) semaphore(%arg11 : memref<!tpu.dma_semaphore, #tpu.memory_space<semaphore_mem>>)
        %add3A_129 = arith.constant 2 : i32
        %add3A_130 = arith.addi %mul3A_76, %add3A_129 : i32
        %mul3A_131 = arith.constant 128 : i32
        %mul3A_132 = arith.muli %add3A_130, %mul3A_131 : i32
        %add3A_133 = arith.addi %mul3A_29, %mul3A_132 : i32
        %dma_start3A_134 = arith.constant 0 : i32
        %dma_start3A_135 = arith.constant 0 : i32
        %dma_start3A_136 = tpu.memref_slice %arg7[%dma_start3A_134, %dma_start3A_135] : memref<2x128xi32, #tpu.memory_space<vmem>> -> memref<1x128xi32, #tpu.memory_space<vmem>>
        %dma_start3A_137 = tpu.memref_squeeze %dma_start3A_136 : memref<1x128xi32, #tpu.memory_space<vmem>> -> memref<128xi32, #tpu.memory_space<vmem>>
        %dma_start3A_138 = tpu.memref_slice %arg4[%add3A_133] : memref<327680xi32, #tpu.memory_space<hbm>> -> memref<128xi32, #tpu.memory_space<hbm>>
        %dma_start3A_139 = arith.constant 0 : i32
        %dma_start3A_140 = tpu.memref_slice %arg7[%dma_start3A_134, %dma_start3A_139] : memref<2x128xi32, #tpu.memory_space<vmem>> -> memref<1x128xi32, #tpu.memory_space<vmem>>
        %dma_start3A_141 = tpu.memref_squeeze %dma_start3A_140 : memref<1x128xi32, #tpu.memory_space<vmem>> -> memref<128xi32, #tpu.memory_space<vmem>>
        %dma_start3A_142 = tpu.memref_slice %arg4[%add3A_133] : memref<327680xi32, #tpu.memory_space<hbm>> -> memref<128xi32, #tpu.memory_space<hbm>>
        tpu.enqueue_dma source(%dma_start3A_142 : memref<128xi32, #tpu.memory_space<hbm>>) target(%dma_start3A_141 : memref<128xi32, #tpu.memory_space<vmem>>) target_semaphore(%arg13 : memref<!tpu.dma_semaphore, #tpu.memory_space<semaphore_mem>>)
      } else {
      }
      %dma_wait3A_96 = arith.constant 0 : i32
      %dma_wait3A_97 = tpu.memref_slice %arg6[%dma_wait3A_96] : memref<10240xi32, #tpu.memory_space<vmem>> -> memref<128xi32, #tpu.memory_space<vmem>>
      %dma_wait3A_98 = arith.constant 0 : i32
      %dma_wait3A_99 = arith.constant 0 : i32
      %dma_wait3A_100 = tpu.memref_slice %arg2[%dma_wait3A_98, %dma_wait3A_99] : memref<10000x128xf32, #tpu.memory_space<hbm>> -> memref<10000x128xf32, #tpu.memory_space<hbm>>
      tpu.wait_indirect_dma semaphore(%arg12 : memref<!tpu.dma_semaphore, #tpu.memory_space<semaphore_mem>>) src(%dma_wait3A_100 : memref<10000x128xf32, #tpu.memory_space<hbm>>) dst(%arg9 : memref<128x128xf32, #tpu.memory_space<vmem>>)
      %dma_wait3A_101 = arith.constant 1 : i32
      %dma_wait3A_102 = arith.constant 0 : i32
      %dma_wait3A_103 = tpu.memref_slice %arg7[%dma_wait3A_101, %dma_wait3A_102] : memref<2x128xi32, #tpu.memory_space<vmem>> -> memref<1x128xi32, #tpu.memory_space<vmem>>
      %dma_wait3A_104 = tpu.memref_squeeze %dma_wait3A_103 : memref<1x128xi32, #tpu.memory_space<vmem>> -> memref<128xi32, #tpu.memory_space<vmem>>
      %dma_wait3A_105 = arith.constant 0 : i32
      %dma_wait3A_106 = tpu.memref_slice %arg4[%dma_wait3A_105] : memref<327680xi32, #tpu.memory_space<hbm>> -> memref<128xi32, #tpu.memory_space<hbm>>
      %dma_wait3A_107 = arith.constant 0 : i32
      %dma_wait3A_108 = tpu.memref_slice %arg7[%dma_wait3A_101, %dma_wait3A_107] : memref<2x128xi32, #tpu.memory_space<vmem>> -> memref<1x128xi32, #tpu.memory_space<vmem>>
      %dma_wait3A_109 = tpu.memref_squeeze %dma_wait3A_108 : memref<1x128xi32, #tpu.memory_space<vmem>> -> memref<128xi32, #tpu.memory_space<vmem>>
      %dma_wait3A_110 = arith.constant 0 : i32
      %dma_wait3A_111 = tpu.memref_slice %arg4[%dma_wait3A_110] : memref<327680xi32, #tpu.memory_space<hbm>> -> memref<128xi32, #tpu.memory_space<hbm>>
      tpu.wait_dma2 semaphore(%arg14 : memref<!tpu.dma_semaphore, #tpu.memory_space<semaphore_mem>>) src(%dma_wait3A_111 : memref<128xi32, #tpu.memory_space<hbm>>) dst(%dma_wait3A_109 : memref<128xi32, #tpu.memory_space<vmem>>)
      %run_scoped3A_112 = arith.constant 1 : i32
      "tpu.region"() ({
        %run_scoped3A_121 = tpu.sem_alloc : memref<!tpu.dma_semaphore, #tpu.memory_space<semaphore_mem>>
        %dma_start3A_122 = arith.constant 0 : i32
        %dma_start3A_123 = tpu.memref_slice %arg7[%run_scoped3A_112, %dma_start3A_122] : memref<2x128xi32, #tpu.memory_space<vmem>> -> memref<1x128xi32, #tpu.memory_space<vmem>>
        %dma_start3A_124 = tpu.memref_squeeze %dma_start3A_123 : memref<1x128xi32, #tpu.memory_space<vmem>> -> memref<128xi32, #tpu.memory_space<vmem>>
        %dma_start3A_125 = arith.constant 0 : i32
        %dma_start3A_126 = arith.constant 0 : i32
        %dma_start3A_127 = tpu.memref_slice %arg10[%dma_start3A_125, %dma_start3A_126] : memref<10240x128xf32, #tpu.memory_space<vmem_shared>> -> memref<10240x128xf32, #tpu.memory_space<vmem_shared>>
        tpu.enqueue_indirect_dma source(%arg9 : memref<128x128xf32, #tpu.memory_space<vmem>>) target(%dma_start3A_127 : memref<10240x128xf32, #tpu.memory_space<vmem_shared>>) offsets(%dma_start3A_124 : memref<128xi32, #tpu.memory_space<vmem>>) semaphore(%run_scoped3A_121 : memref<!tpu.dma_semaphore, #tpu.memory_space<semaphore_mem>>) {add = true}
        %dma_wait3A_128 = arith.constant 0 : i32
        %dma_wait3A_129 = tpu.memref_slice %arg7[%run_scoped3A_112, %dma_wait3A_128] : memref<2x128xi32, #tpu.memory_space<vmem>> -> memref<1x128xi32, #tpu.memory_space<vmem>>
        %dma_wait3A_130 = tpu.memref_squeeze %dma_wait3A_129 : memref<1x128xi32, #tpu.memory_space<vmem>> -> memref<128xi32, #tpu.memory_space<vmem>>
        %dma_wait3A_131 = arith.constant 0 : i32
        %dma_wait3A_132 = arith.constant 0 : i32
        %dma_wait3A_133 = tpu.memref_slice %arg10[%dma_wait3A_131, %dma_wait3A_132] : memref<10240x128xf32, #tpu.memory_space<vmem_shared>> -> memref<10240x128xf32, #tpu.memory_space<vmem_shared>>
        tpu.wait_indirect_dma semaphore(%run_scoped3A_121 : memref<!tpu.dma_semaphore, #tpu.memory_space<semaphore_mem>>) src(%arg9 : memref<128x128xf32, #tpu.memory_space<vmem>>) dst(%dma_wait3A_133 : memref<10240x128xf32, #tpu.memory_space<vmem_shared>>)
        tpu.yield
      }) : () -> ()
      %add3A_113 = arith.constant 3 : i32
      %add3A_114 = arith.addi %mul3A_76, %add3A_113 : i32
      %lt3A_115 = arith.constant 80 : i32
      %lt3A_116 = arith.cmpi slt, %add3A_114, %lt3A_115 : i32
      %convert_element_type3A_117 = arith.extui %lt3A_116 : i1 to i32
      %cond3A_118 = arith.constant 0 : i32
      %cond3A_119 = arith.cmpi ne, %convert_element_type3A_117, %cond3A_118 : i32
      scf.if %cond3A_119 {
        %add3A_121 = arith.constant 3 : i32
        %add3A_122 = arith.addi %mul3A_76, %add3A_121 : i32
        %mul3A_123 = arith.constant 128 : i32
        %mul3A_124 = arith.muli %add3A_122, %mul3A_123 : i32
        %dma_start3A_125 = tpu.memref_slice %arg6[%mul3A_124] : memref<10240xi32, #tpu.memory_space<vmem>> -> memref<128xi32, #tpu.memory_space<vmem>>
        %dma_start3A_126 = arith.constant 0 : i32
        %dma_start3A_127 = arith.constant 0 : i32
        %dma_start3A_128 = tpu.memref_slice %arg2[%dma_start3A_126, %dma_start3A_127] : memref<10000x128xf32, #tpu.memory_space<hbm>> -> memref<10000x128xf32, #tpu.memory_space<hbm>>
        tpu.enqueue_indirect_dma source(%dma_start3A_128 : memref<10000x128xf32, #tpu.memory_space<hbm>>) target(%arg9 : memref<128x128xf32, #tpu.memory_space<vmem>>) offsets(%dma_start3A_125 : memref<128xi32, #tpu.memory_space<vmem>>) semaphore(%arg12 : memref<!tpu.dma_semaphore, #tpu.memory_space<semaphore_mem>>)
        %add3A_129 = arith.constant 3 : i32
        %add3A_130 = arith.addi %mul3A_76, %add3A_129 : i32
        %mul3A_131 = arith.constant 128 : i32
        %mul3A_132 = arith.muli %add3A_130, %mul3A_131 : i32
        %add3A_133 = arith.addi %mul3A_29, %mul3A_132 : i32
        %dma_start3A_134 = arith.constant 1 : i32
        %dma_start3A_135 = arith.constant 0 : i32
        %dma_start3A_136 = tpu.memref_slice %arg7[%dma_start3A_134, %dma_start3A_135] : memref<2x128xi32, #tpu.memory_space<vmem>> -> memref<1x128xi32, #tpu.memory_space<vmem>>
        %dma_start3A_137 = tpu.memref_squeeze %dma_start3A_136 : memref<1x128xi32, #tpu.memory_space<vmem>> -> memref<128xi32, #tpu.memory_space<vmem>>
        %dma_start3A_138 = tpu.memref_slice %arg4[%add3A_133] : memref<327680xi32, #tpu.memory_space<hbm>> -> memref<128xi32, #tpu.memory_space<hbm>>
        %dma_start3A_139 = arith.constant 0 : i32
        %dma_start3A_140 = tpu.memref_slice %arg7[%dma_start3A_134, %dma_start3A_139] : memref<2x128xi32, #tpu.memory_space<vmem>> -> memref<1x128xi32, #tpu.memory_space<vmem>>
        %dma_start3A_141 = tpu.memref_squeeze %dma_start3A_140 : memref<1x128xi32, #tpu.memory_space<vmem>> -> memref<128xi32, #tpu.memory_space<vmem>>
        %dma_start3A_142 = tpu.memref_slice %arg4[%add3A_133] : memref<327680xi32, #tpu.memory_space<hbm>> -> memref<128xi32, #tpu.memory_space<hbm>>
        tpu.enqueue_dma source(%dma_start3A_142 : memref<128xi32, #tpu.memory_space<hbm>>) target(%dma_start3A_141 : memref<128xi32, #tpu.memory_space<vmem>>) target_semaphore(%arg14 : memref<!tpu.dma_semaphore, #tpu.memory_space<semaphore_mem>>)
      } else {
      }
      %scan3A_120 = arith.constant 0 : i32
      scf.yield %scan3A_120 : i32
    }
    %scan3A_67 = arith.constant 40 : i32
    %barrier3A_68 = arith.constant 0 : index
    tpu.barrier barrier_id(%barrier3A_68)
    %mul3A_69 = arith.constant 640 : i32
    %mul3A_70 = arith.muli %arg1, %mul3A_69 : i32
    %mul3A_71 = arith.constant 640 : i32
    %mul3A_72 = arith.muli %arg1, %mul3A_71 : i32
    "tpu.region"() ({
      %run_scoped3A = tpu.sem_alloc : memref<!tpu.dma_semaphore, #tpu.memory_space<semaphore_mem>>
      %dma_start3A_73 = arith.constant 0 : i32
      %dma_start3A_74 = tpu.memref_slice %arg5[%arg0, %mul3A_72, %dma_start3A_73] : memref<2x10240x128xf32, #tpu.memory_space<hbm>> -> memref<1x640x128xf32, #tpu.memory_space<hbm>>
      %dma_start3A_75 = tpu.memref_squeeze %dma_start3A_74 : memref<1x640x128xf32, #tpu.memory_space<hbm>> -> memref<640x128xf32, #tpu.memory_space<hbm>>
      %dma_start3A_76 = arith.constant 0 : i32
      %dma_start3A_77 = tpu.memref_slice %arg10[%mul3A_70, %dma_start3A_76] : memref<10240x128xf32, #tpu.memory_space<vmem_shared>> -> memref<640x128xf32, #tpu.memory_space<vmem_shared>>
      tpu.enqueue_dma source(%dma_start3A_77 : memref<640x128xf32, #tpu.memory_space<vmem_shared>>) target(%dma_start3A_75 : memref<640x128xf32, #tpu.memory_space<hbm>>) target_semaphore(%run_scoped3A : memref<!tpu.dma_semaphore, #tpu.memory_space<semaphore_mem>>)
      %dma_wait3A = arith.constant 0 : i32
      %dma_wait3A_78 = tpu.memref_slice %arg5[%arg0, %mul3A_72, %dma_wait3A] : memref<2x10240x128xf32, #tpu.memory_space<hbm>> -> memref<1x640x128xf32, #tpu.memory_space<hbm>>
      %dma_wait3A_79 = tpu.memref_squeeze %dma_wait3A_78 : memref<1x640x128xf32, #tpu.memory_space<hbm>> -> memref<640x128xf32, #tpu.memory_space<hbm>>
      %dma_wait3A_80 = arith.constant 0 : i32
      %dma_wait3A_81 = tpu.memref_slice %arg10[%mul3A_70, %dma_wait3A_80] : memref<10240x128xf32, #tpu.memory_space<vmem_shared>> -> memref<640x128xf32, #tpu.memory_space<vmem_shared>>
      tpu.wait_dma2 semaphore(%run_scoped3A : memref<!tpu.dma_semaphore, #tpu.memory_space<semaphore_mem>>) src(%dma_wait3A_81 : memref<640x128xf32, #tpu.memory_space<vmem_shared>>) dst(%dma_wait3A_79 : memref<640x128xf32, #tpu.memory_space<hbm>>)
      tpu.yield
    }) : () -> ()
    return
  }
}

module attributes {stable_mosaic.version = 14 : i64} {
  func.func @_layer1_body(%arg0: i32, %arg1: memref<1000x128xf32, #tpu.memory_space<vmem>>, %arg2: memref<1000x128xf32, #tpu.memory_space<vmem>>, %arg3: memref<256x128xf32, #tpu.memory_space<vmem>>, %arg4: memref<2x1000x1xf32, #tpu.memory_space<vmem>>, %arg5: memref<1000x128xf32, #tpu.memory_space<vmem>>, %arg6: memref<1000x1xf32, #tpu.memory_space<vmem>>) attributes {dimension_semantics = [#tpu.dimension_semantics<arbitrary>], iteration_bounds = array<i64: 10>, scalar_prefetch = 0 : i64, scratch_operands = 0 : i64, tpu.core_type = #tpu.core_type<tc>, window_params = [{transform_indices = @transform_0, window_bounds = array<i64: 1000, 128>}, {transform_indices = @transform_1, window_bounds = array<i64: 1000, 128>}, {pipeline_mode = #tpu.pipeline_mode<synchronous>, transform_indices = @transform_2, window_bounds = array<i64: 256, 128>}, {transform_indices = @transform_3, window_bounds = array<i64: 2, 1000, 1>}, {transform_indices = @transform_4, window_bounds = array<i64: 1000, 128>}, {transform_indices = @transform_5, window_bounds = array<i64: 1000, 1>}]} {
    %get3A = arith.constant 0 : index
    %get3A_0 = arith.constant 0 : index
    %get3A_1 = vector.load %arg1[%get3A, %get3A_0] : memref<1000x128xf32, #tpu.memory_space<vmem>>, vector<1000x128xf32>
    %get3A_2 = arith.constant 0 : index
    %get3A_3 = arith.constant 0 : index
    %get3A_4 = vector.load %arg2[%get3A_2, %get3A_3] : memref<1000x128xf32, #tpu.memory_space<vmem>>, vector<1000x128xf32>
    %sub3A = arith.subf %get3A_1, %get3A_4 : vector<1000x128xf32>
    %get3A_5 = arith.constant 0 : index
    %get3A_6 = arith.constant 0 : index
    %get3A_7 = vector.load %arg3[%get3A_5, %get3A_6] : memref<256x128xf32, #tpu.memory_space<vmem>>, vector<128x128xf32>
    %dot_general3A = arith.constant dense<0.000000e+00> : vector<1000x128xf32>
    %dot_general3A_8 = tpu.matmul %sub3A, %get3A_7, %dot_general3A {dimension_numbers = #tpu.dot_dimension_numbers<[1], [0], [0], [1], [0, 0, 1, 1], [], []>, transpose_lhs_hint = false} : vector<1000x128xf32>, vector<128x128xf32>, vector<1000x128xf32> -> vector<1000x128xf32>
    %get3A_9 = arith.constant 128 : index
    %get3A_10 = arith.constant 0 : index
    %get3A_11 = vector.load %arg3[%get3A_9, %get3A_10] : memref<256x128xf32, #tpu.memory_space<vmem>>, vector<128x128xf32>
    %dot_general3A_12 = arith.constant dense<0.000000e+00> : vector<1000x128xf32>
    %dot_general3A_13 = tpu.matmul %get3A_4, %get3A_11, %dot_general3A_12 {dimension_numbers = #tpu.dot_dimension_numbers<[1], [0], [0], [1], [0, 0, 1, 1], [], []>, transpose_lhs_hint = false} : vector<1000x128xf32>, vector<128x128xf32>, vector<1000x128xf32> -> vector<1000x128xf32>
    %add3A = arith.addf %dot_general3A_8, %dot_general3A_13 : vector<1000x128xf32>
    %get3A_14 = arith.constant 0 : index
    %get3A_15 = arith.constant 0 : index
    %get3A_16 = arith.constant 0 : index
    %get3A_17 = vector.load %arg4[%get3A_14, %get3A_15, %get3A_16] : memref<2x1000x1xf32, #tpu.memory_space<vmem>>, vector<1x1000x1xf32>
    %get3A_18 = vector.shape_cast %get3A_17 : vector<1x1000x1xf32> to vector<1000x1xf32>
    %get3A_19 = arith.constant 1 : index
    %get3A_20 = arith.constant 0 : index
    %get3A_21 = arith.constant 0 : index
    %get3A_22 = vector.load %arg4[%get3A_19, %get3A_20, %get3A_21] : memref<2x1000x1xf32, #tpu.memory_space<vmem>>, vector<1x1000x1xf32>
    %get3A_23 = vector.shape_cast %get3A_22 : vector<1x1000x1xf32> to vector<1000x1xf32>
    %add3A_24 = arith.addf %get3A_18, %get3A_23 : vector<1000x1xf32>
    %add3A_25 = arith.constant 1.000000e+00 : f32
    %add3A_26 = vector.broadcast %add3A_25 : f32 to vector<1000x1xf32>
    %add3A_27 = arith.addf %add3A_24, %add3A_26 : vector<1000x1xf32>
    %rsqrt3A = math.rsqrt %add3A_27 : vector<1000x1xf32>
    %swap3A = arith.constant 0 : index
    %swap3A_28 = arith.constant 0 : index
    %swap3A_29 = vector.load %arg6[%swap3A, %swap3A_28] : memref<1000x1xf32, #tpu.memory_space<vmem>>, vector<1000x1xf32>
    tpu.vector_store %arg6[%swap3A, %swap3A_28], %rsqrt3A {strides = array<i32>} : memref<1000x1xf32, #tpu.memory_space<vmem>>, vector<1000x1xf32>,
    %mul3A = vector.broadcast %rsqrt3A : vector<1000x1xf32> to vector<1000x128xf32>
    %mul3A_30 = arith.mulf %add3A, %mul3A : vector<1000x128xf32>
    %swap3A_31 = arith.constant 0 : index
    %swap3A_32 = arith.constant 0 : index
    %swap3A_33 = vector.load %arg5[%swap3A_31, %swap3A_32] : memref<1000x128xf32, #tpu.memory_space<vmem>>, vector<1000x128xf32>
    tpu.vector_store %arg5[%swap3A_31, %swap3A_32], %mul3A_30 {strides = array<i32>} : memref<1000x128xf32, #tpu.memory_space<vmem>>, vector<1000x128xf32>,
    return
  }
  func.func @transform_0(%arg0: i32) -> (i32, i32) {
    %c0_i32 = arith.constant 0 : i32
    %c0_i32_0 = arith.constant 0 : i32
    return %arg0, %c0_i32 : i32, i32
  }
  func.func @transform_1(%arg0: i32) -> (i32, i32) {
    %c0_i32 = arith.constant 0 : i32
    %c0_i32_0 = arith.constant 0 : i32
    return %arg0, %c0_i32 : i32, i32
  }
  func.func @transform_2(%arg0: i32) -> (i32, i32) {
    %c0_i32 = arith.constant 0 : i32
    %c0_i32_0 = arith.constant 0 : i32
    %c0_i32_1 = arith.constant 0 : i32
    return %c0_i32, %c0_i32_0 : i32, i32
  }
  func.func @transform_3(%arg0: i32) -> (i32, i32, i32) {
    %c0_i32 = arith.constant 0 : i32
    %c0_i32_0 = arith.constant 0 : i32
    %c0_i32_1 = arith.constant 0 : i32
    return %c0_i32, %arg0, %c0_i32_0 : i32, i32, i32
  }
  func.func @transform_4(%arg0: i32) -> (i32, i32) {
    %c0_i32 = arith.constant 0 : i32
    %c0_i32_0 = arith.constant 0 : i32
    return %arg0, %c0_i32 : i32, i32
  }
  func.func @transform_5(%arg0: i32) -> (i32, i32) {
    %c0_i32 = arith.constant 0 : i32
    %c0_i32_0 = arith.constant 0 : i32
    return %arg0, %c0_i32 : i32, i32
  }
}

module attributes {stable_mosaic.version = 14 : i64} {
  func.func @_layer2_body(%arg0: i32, %arg1: memref<2x1000x128xf32, #tpu.memory_space<vmem>>, %arg2: memref<1000x128xf32, #tpu.memory_space<vmem>>, %arg3: memref<1000x1xf32, #tpu.memory_space<vmem>>, %arg4: memref<1x128xf32, #tpu.memory_space<vmem>>, %arg5: memref<128x64xf32, #tpu.memory_space<vmem>>, %arg6: memref<1000x128xf32, #tpu.memory_space<vmem>>) attributes {dimension_semantics = [#tpu.dimension_semantics<arbitrary>], iteration_bounds = array<i64: 10>, scalar_prefetch = 0 : i64, scratch_operands = 0 : i64, tpu.core_type = #tpu.core_type<tc>, window_params = [{transform_indices = @transform_0, window_bounds = array<i64: 2, 1000, 128>}, {transform_indices = @transform_1, window_bounds = array<i64: 1000, 128>}, {transform_indices = @transform_2, window_bounds = array<i64: 1000, 1>}, {pipeline_mode = #tpu.pipeline_mode<synchronous>, transform_indices = @transform_3, window_bounds = array<i64: 1, 128>}, {pipeline_mode = #tpu.pipeline_mode<synchronous>, transform_indices = @transform_4, window_bounds = array<i64: 128, 64>}, {transform_indices = @transform_5, window_bounds = array<i64: 1000, 128>}]} {
    %get3A = arith.constant 0 : index
    %get3A_0 = arith.constant 0 : index
    %get3A_1 = arith.constant 0 : index
    %get3A_2 = vector.load %arg1[%get3A, %get3A_0, %get3A_1] : memref<2x1000x128xf32, #tpu.memory_space<vmem>>, vector<1x1000x128xf32>
    %get3A_3 = vector.shape_cast %get3A_2 : vector<1x1000x128xf32> to vector<1000x128xf32>
    %get3A_4 = arith.constant 1 : index
    %get3A_5 = arith.constant 0 : index
    %get3A_6 = arith.constant 0 : index
    %get3A_7 = vector.load %arg1[%get3A_4, %get3A_5, %get3A_6] : memref<2x1000x128xf32, #tpu.memory_space<vmem>>, vector<1x1000x128xf32>
    %get3A_8 = vector.shape_cast %get3A_7 : vector<1x1000x128xf32> to vector<1000x128xf32>
    %add3A = arith.addf %get3A_3, %get3A_8 : vector<1000x128xf32>
    %get3A_9 = arith.constant 0 : index
    %get3A_10 = arith.constant 0 : index
    %get3A_11 = vector.load %arg3[%get3A_9, %get3A_10] : memref<1000x1xf32, #tpu.memory_space<vmem>>, vector<1000x1xf32>
    %get3A_12 = arith.constant 0 : index
    %get3A_13 = arith.constant 0 : index
    %get3A_14 = vector.load %arg2[%get3A_12, %get3A_13] : memref<1000x128xf32, #tpu.memory_space<vmem>>, vector<1000x128xf32>
    %add3A_15 = arith.addf %add3A, %get3A_14 : vector<1000x128xf32>
    %mul3A = vector.broadcast %get3A_11 : vector<1000x1xf32> to vector<1000x128xf32>
    %mul3A_16 = arith.mulf %add3A_15, %mul3A : vector<1000x128xf32>
    %get3A_17 = arith.constant 0 : index
    %get3A_18 = arith.constant 0 : index
    %get3A_19 = vector.load %arg4[%get3A_17, %get3A_18] : memref<1x128xf32, #tpu.memory_space<vmem>>, vector<1x128xf32>
    %add3A_20 = vector.broadcast %get3A_19 : vector<1x128xf32> to vector<1000x128xf32>
    %add3A_21 = arith.addf %mul3A_16, %add3A_20 : vector<1000x128xf32>
    %max3A = arith.constant 0.000000e+00 : f32
    %max3A_22 = vector.broadcast %max3A : f32 to vector<1000x128xf32>
    %max3A_23 = arith.maximumf %add3A_21, %max3A_22 : vector<1000x128xf32>
    %get3A_24 = arith.constant 0 : index
    %get3A_25 = arith.constant 0 : index
    %get3A_26 = vector.load %arg5[%get3A_24, %get3A_25] : memref<128x64xf32, #tpu.memory_space<vmem>>, vector<128x64xf32>
    %dot_general3A = arith.constant dense<0.000000e+00> : vector<1000x64xf32>
    %dot_general3A_27 = tpu.matmul %max3A_23, %get3A_26, %dot_general3A {dimension_numbers = #tpu.dot_dimension_numbers<[1], [0], [0], [1], [0, 0, 1, 1], [], []>, transpose_lhs_hint = false} : vector<1000x128xf32>, vector<128x64xf32>, vector<1000x64xf32> -> vector<1000x64xf32>
    %mul3A_28 = vector.broadcast %get3A_11 : vector<1000x1xf32> to vector<1000x64xf32>
    %mul3A_29 = arith.mulf %dot_general3A_27, %mul3A_28 : vector<1000x64xf32>
    %broadcast_in_dim3A = arith.constant 0.000000e+00 : f32
    %broadcast_in_dim3A_30 = vector.broadcast %broadcast_in_dim3A : f32 to vector<1000x64xf32>
    %concatenate3A = tpu.concatenate %mul3A_29, %broadcast_in_dim3A_30 in 1 : vector<1000x64xf32>, vector<1000x64xf32> -> vector<1000x128xf32>
    %swap3A = arith.constant 0 : index
    %swap3A_31 = arith.constant 0 : index
    %swap3A_32 = vector.load %arg6[%swap3A, %swap3A_31] : memref<1000x128xf32, #tpu.memory_space<vmem>>, vector<1000x128xf32>
    tpu.vector_store %arg6[%swap3A, %swap3A_31], %concatenate3A {strides = array<i32>} : memref<1000x128xf32, #tpu.memory_space<vmem>>, vector<1000x128xf32>,
    return
  }
  func.func @transform_0(%arg0: i32) -> (i32, i32, i32) {
    %c0_i32 = arith.constant 0 : i32
    %c0_i32_0 = arith.constant 0 : i32
    %c0_i32_1 = arith.constant 0 : i32
    return %c0_i32, %arg0, %c0_i32_0 : i32, i32, i32
  }
  func.func @transform_1(%arg0: i32) -> (i32, i32) {
    %c0_i32 = arith.constant 0 : i32
    %c0_i32_0 = arith.constant 0 : i32
    return %arg0, %c0_i32 : i32, i32
  }
  func.func @transform_2(%arg0: i32) -> (i32, i32) {
    %c0_i32 = arith.constant 0 : i32
    %c0_i32_0 = arith.constant 0 : i32
    return %arg0, %c0_i32 : i32, i32
  }
  func.func @transform_3(%arg0: i32) -> (i32, i32) {
    %c0_i32 = arith.constant 0 : i32
    %c0_i32_0 = arith.constant 0 : i32
    %c0_i32_1 = arith.constant 0 : i32
    return %c0_i32, %c0_i32_0 : i32, i32
  }
  func.func @transform_4(%arg0: i32) -> (i32, i32) {
    %c0_i32 = arith.constant 0 : i32
    %c0_i32_0 = arith.constant 0 : i32
    %c0_i32_1 = arith.constant 0 : i32
    return %c0_i32, %c0_i32_0 : i32, i32
  }
  func.func @transform_5(%arg0: i32) -> (i32, i32) {
    %c0_i32 = arith.constant 0 : i32
    %c0_i32_0 = arith.constant 0 : i32
    return %arg0, %c0_i32 : i32, i32
  }
}

module attributes {stable_mosaic.version = 14 : i64} {
  func.func @_final_body(%arg0: i32, %arg1: memref<2x1000x128xf32, #tpu.memory_space<vmem>>, %arg2: memref<1000x128xf32, #tpu.memory_space<vmem>>, %arg3: memref<1000x1xf32, #tpu.memory_space<vmem>>, %arg4: memref<1x64xf32, #tpu.memory_space<vmem>>, %arg5: memref<1000x64xf32, #tpu.memory_space<vmem>>) attributes {dimension_semantics = [#tpu.dimension_semantics<arbitrary>], iteration_bounds = array<i64: 10>, scalar_prefetch = 0 : i64, scratch_operands = 0 : i64, tpu.core_type = #tpu.core_type<tc>, window_params = [{transform_indices = @transform_0, window_bounds = array<i64: 2, 1000, 128>}, {transform_indices = @transform_1, window_bounds = array<i64: 1000, 128>}, {transform_indices = @transform_2, window_bounds = array<i64: 1000, 1>}, {pipeline_mode = #tpu.pipeline_mode<synchronous>, transform_indices = @transform_3, window_bounds = array<i64: 1, 64>}, {transform_indices = @transform_4, window_bounds = array<i64: 1000, 64>}]} {
    %get3A = arith.constant 0 : index
    %get3A_0 = arith.constant 0 : index
    %get3A_1 = arith.constant 0 : index
    %get3A_2 = vector.load %arg1[%get3A, %get3A_0, %get3A_1] : memref<2x1000x128xf32, #tpu.memory_space<vmem>>, vector<1x1000x128xf32>
    %get3A_3 = vector.shape_cast %get3A_2 : vector<1x1000x128xf32> to vector<1000x128xf32>
    %get3A_4 = arith.constant 1 : index
    %get3A_5 = arith.constant 0 : index
    %get3A_6 = arith.constant 0 : index
    %get3A_7 = vector.load %arg1[%get3A_4, %get3A_5, %get3A_6] : memref<2x1000x128xf32, #tpu.memory_space<vmem>>, vector<1x1000x128xf32>
    %get3A_8 = vector.shape_cast %get3A_7 : vector<1x1000x128xf32> to vector<1000x128xf32>
    %add3A = arith.addf %get3A_3, %get3A_8 : vector<1000x128xf32>
    %get3A_9 = arith.constant 0 : index
    %get3A_10 = arith.constant 0 : index
    %get3A_11 = vector.load %arg2[%get3A_9, %get3A_10] : memref<1000x128xf32, #tpu.memory_space<vmem>>, vector<1000x128xf32>
    %add3A_12 = arith.addf %add3A, %get3A_11 : vector<1000x128xf32>
    %slice3A = vector.extract_strided_slice %add3A_12 {offsets = [0, 0], sizes = [1000, 64], strides = [1, 1]} : vector<1000x128xf32> to vector<1000x64xf32>
    %get3A_13 = arith.constant 0 : index
    %get3A_14 = arith.constant 0 : index
    %get3A_15 = vector.load %arg3[%get3A_13, %get3A_14] : memref<1000x1xf32, #tpu.memory_space<vmem>>, vector<1000x1xf32>
    %mul3A = vector.broadcast %get3A_15 : vector<1000x1xf32> to vector<1000x64xf32>
    %mul3A_16 = arith.mulf %slice3A, %mul3A : vector<1000x64xf32>
    %get3A_17 = arith.constant 0 : index
    %get3A_18 = arith.constant 0 : index
    %get3A_19 = vector.load %arg4[%get3A_17, %get3A_18] : memref<1x64xf32, #tpu.memory_space<vmem>>, vector<1x64xf32>
    %add3A_20 = vector.broadcast %get3A_19 : vector<1x64xf32> to vector<1000x64xf32>
    %add3A_21 = arith.addf %mul3A_16, %add3A_20 : vector<1000x64xf32>
    %swap3A = arith.constant 0 : index
    %swap3A_22 = arith.constant 0 : index
    %swap3A_23 = vector.load %arg5[%swap3A, %swap3A_22] : memref<1000x64xf32, #tpu.memory_space<vmem>>, vector<1000x64xf32>
    tpu.vector_store %arg5[%swap3A, %swap3A_22], %add3A_21 {strides = array<i32>} : memref<1000x64xf32, #tpu.memory_space<vmem>>, vector<1000x64xf32>,
    return
  }
  func.func @transform_0(%arg0: i32) -> (i32, i32, i32) {
    %c0_i32 = arith.constant 0 : i32
    %c0_i32_0 = arith.constant 0 : i32
    %c0_i32_1 = arith.constant 0 : i32
    return %c0_i32, %arg0, %c0_i32_0 : i32, i32, i32
  }
  func.func @transform_1(%arg0: i32) -> (i32, i32) {
    %c0_i32 = arith.constant 0 : i32
    %c0_i32_0 = arith.constant 0 : i32
    return %arg0, %c0_i32 : i32, i32
  }
  func.func @transform_2(%arg0: i32) -> (i32, i32) {
    %c0_i32 = arith.constant 0 : i32
    %c0_i32_0 = arith.constant 0 : i32
    return %arg0, %c0_i32 : i32, i32
  }
  func.func @transform_3(%arg0: i32) -> (i32, i32) {
    %c0_i32 = arith.constant 0 : i32
    %c0_i32_0 = arith.constant 0 : i32
    %c0_i32_1 = arith.constant 0 : i32
    return %c0_i32, %c0_i32_0 : i32, i32
  }
  func.func @transform_4(%arg0: i32) -> (i32, i32) {
    %c0_i32 = arith.constant 0 : i32
    %c0_i32_0 = arith.constant 0 : i32
    return %arg0, %c0_i32 : i32, i32
  }
}

</mosaic_0001>

<sc_bundles>
// kernel: kernel.11.cloned.1.call-start
scs
__scs_entry_jumppad:
0x0: {  	(pc) =	sbr.rel $0x88, $3  }
0x1: {  	(tag) =	ssettag $0x0;
	lr =	simm.s32 $0x1  }
0x2: {  	[smem:$0x3F9A] =	sst lr;
	_ =	strace $0xD0000000  }
0x3: {  	_ = 	snop  }
0x4: {  	_ = 	snop  }
0x5: {  	_ = 	snop  }
0x6: {  	_ = 	snop  }
0x7: {  	_ = 	snop  }
__scs_overlays_trampoline_lowered:
0x8: {  	[smem:$0x3FA9] =	sst s0  }
0x9: {  	[smem:$0x3FAA] =	sst s1  }
0xa: {  	[smem:$0x3FAB] =	sst s2  }
0xb: {  	[smem:$0x3FAC] =	sst s3  }
0xc: {  	[smem:$0x3FAD] =	sst s4  }
0xd: {  	[smem:$0x3FAE] =	sst s5  }
0xe: {  	[smem:$0x3FAF] =	sst s6  }
0xf: {  	[smem:$0x3FB0] =	sst s7  }
0x10: {  	[smem:$0x3FB1] =	sst s8  }
0x11: {  	[smem:$0x3FB2] =	sst s9;
	s0 =	simm.s32 @!p0 $0x0  }
0x12: {  	s1 =	sld [smem:$0x3F98];
	s0 =	simm.s32 @p0 $0x1  }
0x13: {  	[smem:$0x3FB3] =	sst s0;
	s0 =	simm.s32 @!p1 $0x0  }
0x14: {  	s2 =	sld [smem:$0x3F97];
	s0 =	simm.s32 @p1 $0x1  }
0x15: {  	[smem:$0x3FB4] =	sst s0;
	s0 =	simm.s32 @!p2 $0x0  }
0x16: {  	s3 =	sld [smem:$0x3FDB];
	s0 =	simm.s32 @p2 $0x1  }
0x17: {  	s4 =	simm.s32 $0x1BF5;
	[smem:$0x3FB6] =	sst s0  }
0x18: {  	s0 =	sld [smem:$0x3F99];
	_ =	swait.ge [sflag:s4], $0x0  }
0x19: {  	s7 =	sld [smem:$0x3F9A]  }
0x1a: {  	s8 =	sadd.s32 $0xFFFFE003, lr  }
0x1b: {  	s9 =	sadd.s32 $0xFFFFFEF7, lr;
	s5 =	simm.s32 $0xFFFFFFFF;
	p2 =	slt.u32 s8, $0xFFFFF086  }
0x1c: {  	p1 =	slt.u32 s9, $0xF7A;
	s5 =	simm.s32 @!p2 $0x0  }
0x1d: {  	s5 =	simm.s32 @p1 $0x1;
	p0 =	seq.s32 s7, s2  }
0x1e: {  	s7 =	smul.u32 @!p0 $0xF7A, s2;
	p2 =	seq.s32 @!p0 s5, $0x0  }
0x1f: {  	s9 =	smul.u32 $0xF7A, s1;
	s8 =	simm.s32 @!p0 $0x1BF5;
	p2 =	por !p2, p0  }
0x20: {  	[sflag:s8] =	ssyncset.s32 @!p0 $0xFFFFF086;
	s6 =	sadd.s32 @!p0 s3, s7;
	s7 =	simm.s32 @!p0 $0x108  }
0x21: {  	s3 =	sadd.s32 s3, s9;
	s6 =	sadd.s32 @!p0 $0x88, s6;
	s7 =	simm.s32 @p2 $0x1082  }
0x22: {  	[simem:s7], [sflag:s8] =	dma.local @!p0 [hbm:s6], $0xF7A  }
0x23: {  	s9 =	sor.u32 $0xD0000000, s2;
	s6 =	simm.s32 $0x108;
	_ =	swait.ge @!p0 [sflag:s8], $0x0  }
0x24: {  	s3 =	sadd.s32 $0x88, s3;
	s6 =	simm.s32 @!p1 $0x1082;
	[sflag:s4] =	ssyncset.s32 $0xFFFFF086  }
0x25: {  	[simem:s6], [sflag:s4] =	dma.local [hbm:s3], $0xF7A  }
0x26: {  	[smem:$0x3F9A] =	sst s1;
	(tag) =	ssettag s2;
	_ =	strace s9  }
0x27: {  	s1 =	sld [smem:$0x3FAA]  }
0x28: {  	s2 =	sld [smem:$0x3FAB]  }
0x29: {  	s4 =	sld [smem:$0x3FAD]  }
0x2a: {  	p0 =	seq.s32 s5, $0x0;
	s5 =	sld [smem:$0x3FAE]  }
0x2b: {  	s6 =	sld [smem:$0x3FAF]  }
0x2c: {  	s7 =	sld [smem:$0x3FB0]  }
0x2d: {  	s3 =	simm.s32 $0x108;
	s8 =	sld [smem:$0x3FB1]  }
0x2e: {  	s3 =	simm.s32 @!p0 $0x1082;
	s9 =	sld [smem:$0x3FB2]  }
0x2f: {  	lr =	sadd.s32 s0, s3;
	s0 =	sld [smem:$0x3FA9]  }
0x30: {  	s3 =	sld [smem:$0x3FAC]  }
0x31: {  	[smem:$0x3FB5] =	sst s10  }
0x32: {  	s10 =	sld [smem:$0x3FB3];
	_ =	sdelay $0x3  }
0x33: {  	p0 =	seq.s32 s10, $0x1;
	s10 =	sld [smem:$0x3FB5];
	_ =	sdelay $0x3  }
0x34: {  	[smem:$0x3FB5] =	sst s10  }
0x35: {  	s10 =	sld [smem:$0x3FB4];
	_ =	sdelay $0x3  }
0x36: {  	p1 =	seq.s32 s10, $0x1;
	s10 =	sld [smem:$0x3FB5];
	_ =	sdelay $0x3  }
0x37: {  	[smem:$0x3FB5] =	sst s10  }
0x38: {  	s10 =	sld [smem:$0x3FB6]  }
0x39: {  	_ = 	snop;
	(pc) =	sbr.ind lr, $3  }
0x3a: {  	_ = 	snop  }
0x3b: {  	_ = 	snop  }
0x3c: {  	p2 =	seq.s32 s10, $0x1;
	s10 =	sld [smem:$0x3FB5]  }
0x3d: {  	_ =	shalt  }
0x3e: {  	_ =	shalt  }
0x3f: {  	_ =	shalt  }
0x40: {  	_ =	shalt  }
0x41: {  	_ =	shalt  }
0x42: {  	_ =	shalt  }
0x43: {  	_ =	shalt  }
0x44: {  	_ =	shalt  }
0x45: {  	_ =	shalt  }
0x46: {  	_ =	shalt  }
0x47: {  	_ =	shalt  }
0x48: {  	_ =	shalt  }
0x49: {  	_ =	shalt  }
0x4a: {  	_ =	shalt  }
0x4b: {  	_ =	shalt  }
0x4c: {  	_ =	shalt  }
0x4d: {  	_ =	shalt  }
0x4e: {  	_ =	shalt  }
0x4f: {  	_ =	shalt  }
0x50: {  	_ =	shalt  }
0x51: {  	_ =	shalt  }
0x52: {  	_ =	shalt  }
0x53: {  	_ =	shalt  }
0x54: {  	_ =	shalt  }
0x55: {  	_ =	shalt  }
0x56: {  	_ =	shalt  }
0x57: {  	_ =	shalt  }
0x58: {  	_ =	shalt  }
0x59: {  	_ =	shalt  }
0x5a: {  	_ =	shalt  }
0x5b: {  	_ =	shalt  }
0x5c: {  	_ =	shalt  }
0x5d: {  	_ =	shalt  }
0x5e: {  	_ =	shalt  }
0x5f: {  	_ =	shalt  }
0x60: {  	_ =	shalt  }
0x61: {  	_ =	shalt  }
0x62: {  	_ =	shalt  }
0x63: {  	_ =	shalt  }
0x64: {  	_ =	shalt  }
0x65: {  	_ =	shalt  }
0x66: {  	_ =	shalt  }
0x67: {  	_ =	shalt  }
0x68: {  	_ =	shalt  }
0x69: {  	_ =	shalt  }
0x6a: {  	_ =	shalt  }
0x6b: {  	_ =	shalt  }
0x6c: {  	_ =	shalt  }
0x6d: {  	_ =	shalt  }
0x6e: {  	_ =	shalt  }
0x6f: {  	_ =	shalt  }
0x70: {  	_ =	shalt  }
0x71: {  	_ =	shalt  }
0x72: {  	_ =	shalt  }
0x73: {  	_ =	shalt  }
0x74: {  	_ =	shalt  }
0x75: {  	_ =	shalt  }
0x76: {  	_ =	shalt  }
0x77: {  	_ =	shalt  }
0x78: {  	_ =	shalt  }
0x79: {  	_ =	shalt  }
0x7a: {  	_ =	shalt  }
0x7b: {  	_ =	shalt  }
0x7c: {  	_ =	shalt  }
0x7d: {  	_ =	shalt  }
0x7e: {  	_ =	shalt  }
0x7f: {  	_ =	shalt  }
0x80: {  	_ =	shalt  }
0x81: {  	_ =	shalt  }
0x82: {  	_ =	shalt  }
0x83: {  	_ =	shalt  }
0x84: {  	_ =	shalt  }
0x85: {  	_ =	shalt  }
0x86: {  	_ =	shalt  }
0x87: {  	_ =	shalt  }
.Lfunc_end0:
.L_simem_size_0:
called_computation.1_lowered:
.L_overlay_start_0:
0x88: {  	s2 =	sld [smem:$0x3FD9]  }
0x89: {  	s3 =	sld [smem:$0x3FFE];
	_ =	sdelay $0x1  }
0x8a: {  	s1 =	srdreg.scid  }
0x8b: {  	s0 =	sand.u32 $0x1, s1  }
0x8c: {  	s17 =	sshll.u32 s0, $0xA;
	s2 =	sadd.s32 s3, s2  }
0x8d: {  	s2 =	sadd.s32 s2, s17  }
0x8e: {  	[smem:$0x3FC1] =	sst s2  }
0x8f: {  	_ = 	snop  }
0x90: {  	s2 =	sld [smem:$0x3FD0];
	(tm) =	ssettm $0x1  }
0x91: {  	s18 =	sld [smem:$0x3FFB];
	_ =	sdelay $0x3  }
0x92: {  	_ =	strace s18  }
0x93: {  	s3 =	sld [smem:$0x3FFC];
	_ =	sdelay $0x3  }
0x94: {  	_ =	strace s3  }
0x95: {  	s3 =	sld [smem:$0x3FFD];
	_ =	sdelay $0x3  }
0x96: {  	_ =	strace s3  }
0x97: {  	_ =	strace $0x8FFFFFFF  }
0x98: {  	s19 =	sld [smem:$0x3FDB];
	_ =	sdelay $0x1  }
0x99: {  	s4 =	simm.s32 $_scs_section_size  }
0x9a: {  	s5 =	simm.s32 $_size__tile_overlayer_lowered;
	s6 =	simm.s32 $_tile_overlayer_lowered  }
0x9b: {  	s22 =	simm.s32 $0x1BFF;
	s21 =	sshll.u32 s6, $0x1;
	s3 =	sadd.s32 s4, s19  }
0x9c: {  	s7 =	simm.s32 $0x0;
	s20 =	sshll.u32 s5, $0x1;
	s5 =	sadd.s32 s21, s3  }
0x9d: {  	[timem:s7], [sflag:s22] =	dma.local [hbm:s5], s20  }
0x9e: {  	_ =	swait.ge [sflag:s22], s20  }
0x9f: {  	s4 =	ssub.s32 $0x0, s20;
	[sflag:s22] =	ssyncset.done $0x0  }
0xa0: {  	[sflag:s22] =	ssyncadd.s32 s4;
	_ =	sdelay $0x1  }
0xa1: {  	s23 =	simm.s32 $0x1B8B  }
0xa2: {  	_ =	swait.ge [sflag:s23], $0x1  }
0xa3: {  	[sflag:s23] =	ssyncset.done $0x0  }
0xa4: {  	s25 =	simm.s32 $0x1B8E;
	s24 =	sld [smem:$0x3FFE];
	[sflag:s23] =	ssyncadd.s32 $0xFFFFFFFF  }
0xa5: {  	s26 =	simm.s32 $execute0_lowered;
	[smem:$0x3FD2] =	sst s25  }
0xa6: {  	s5 =	sshll.u32 s26, $0x1;
	_ =	strace $0x80000049;
	[dreg:$0x1] =	wrdreg $0xFFFFFFFF  }
0xa7: {  	s28 =	simm.s32 $_size_execute0_lowered;
	s3 =	sadd.s32 s3, s5;
	[dreg:$0x0] =	wrdreg $0x0  }
0xa8: {  	s5 =	sshll.u32 s28, $0x1;
	[dreg:$0x2] =	wrdreg s3  }
0xa9: {  	[dreg:$0x3] =	wrdreg s5  }
0xaa: {  	[dreg:$0x4] =	wrdreg $0xC0  }
0xab: {  	_ =	task [dreg:s7], $0x5FFFF  }
0xac: {  	[dreg:$0x1] =	wrdreg $0xFFFFFFFF  }
0xad: {  	[dreg:$0x0] =	wrdreg $0x60  }
0xae: {  	[dreg:$0x2] =	wrdreg s24  }
0xaf: {  	[dreg:$0x3] =	wrdreg s2  }
0xb0: {  	[dreg:$0x4] =	wrdreg $0xA9000  }
0xb1: {  	[dreg:$0x5] =	wrdreg $0x9  }
0xb2: {  	_ =	task.clear_ibuf [dreg:s7], $0x6FFFF;
	_ =	strace $0x90000049  }
0xb3: {  	s29 =	simm.s32 $0x9;
	_ =	strace $0x8000004B  }
0xb4: {  	_ =	swait.ge [sflag:s29], $0x1  }
0xb5: {  	[sflag:s29] =	ssyncadd.s32 $0xFFFFFFFF  }
0xb6: {  	_ =	strace $0x9000004B  }
0xb7: {  	_ =	sfence  }
0xb8: {  	s30 =	sld [smem:$0x0];
	_ =	sdelay $0x2  }
0xb9: {  	s31 =	sshll.u32 s1, $0xD;
	s1 =	sshrl.u32 s1, $0x2  }
0xba: {  	s3 =	sand.u32 $0x4000, s31;
	s1 =	sadd.s32 s1, s30  }
0xbb: {  	s0 =	sor.u32 s3, s0;
	s1 =	sshll.u32 s1, $0x11  }
0xbc: {  	s0 =	sor.u32 s1, s0  }
0xbd: {  	s0 =	sadd.s32 $0x8F2B, s0  }
0xbe: {  	[sflag:s0] =	ssyncadd.remote.s32 $0x1  }
0xbf: {  	_ =	sfence.sel $0xFFFF  }
0xc0: {  	[dreg:$0x0] =	wrdreg $0xFFFFFFFF;
	(pc) =	sbr.abs _section_cstart, $3  }
0xc1: {  	[dreg:$0x1] =	wrdreg $0xFFFFFFFF  }
0xc2: {  	_ =	task.clear_ibuf [dreg:s7], $0x2FFFF;
	_ =	strace $0x9FFFFFFF  }
0xc3: {  	(tm) =	ssettm $0x7FFFFFFF  }
tec
execute0_lowered:
.L_overlay_start_1:
0x0: {  	(tag) =	ssettag $0x1  }
0x1: {  	s5 =	rddreg [dreg:$0x0]  }
0x2: {  	s16 =	rddreg [dreg:$0x1]  }
0x3: {  	s0 =	srdreg.scid;
	s2 =	rddreg [dreg:$0x2]  }
0x4: {  	s1 =	stileid.u32;
	s3 =	simm.s32 $0x0;
	s19 =	simm.s32 $0x80  }
0x5: {  	s20 =	simm.s32 $0x2800;
	s21 =	simm.s32 $0x6900;
	s22 =	simm.s32 $0x2880  }
0x6: {  	s23 =	simm.s32 $0x1;
	s24 =	simm.s32 $0x3;
	s8 =	smul.u32 $0x14000, s1  }
0x7: {  	s25 =	simm.s32 $0x2;
	s28 =	simm.s32 $0x0;
	s26 =	smul.u32 $0x50000, s1  }
0x8: {  	s6 =	sand.u32 $0x1, s0;
	s4 =	sshll.u32 s1, $0x1;
	s12 =	smul.u32 $0x5000, s1  }
0x9: {  	[smem:$0x7FF] =	sst s3;
	s7 =	smul.u32 $0x140000, s6;
	s4 =	sor.u32 s6, s4  }
0xa: {  	_ =	strace $0x8000004A;
	s29 =	ssub.s32 $0x2, s6;
	s15 =	smul.u32 $0x2800, s6  }
0xb: {  	s9 =	smul.u32 $0x2800, s4;
	s4 =	sadd.s32 $0xD600, s5;
	s30 =	sshrl.u32 s29, $0x1  }
0xc: {  	s7 =	sadd.s32 s8, s7;
	s8 =	sshrl.u32 s26, $0x2;
	s14 =	ssub.s32 s29, s30  }
0xd: {  	s15 =	sadd.s32 s15, s12;
	s26 =	simm.s32 $0x4;
	s10 =	sshrl.u32 s9, $0x3  }
0xe: {  	s7 =	sshrl.u32 s7, $0x3;
	s17 =	sor.u32 $0x100, s15;
	s18 =	sor.u32 $0x180, s15  }
0xf: {  	s14 =	smax.u32 s14, $0x1;
	s11 =	sadd.s32 s10, s5;
	s13 =	sadd.s32 s7, s5  }
0x10: {  	s5 =	sadd.s32 s8, s2;
	s10 =	sadd.s32 s16, s10;
	s17 =	sshrl.u32 s17, $0x3  }
0x11: {  	s31 =	sshrl.u32 s18, $0x3;
	s18 =	simm.s32 $0x5;
	s6 =	sadd.s32 $0x4000, s5  }
0x12: {  	s7 =	sadd.s32 $0x8000, s5;
	s8 =	sadd.s32 $0xC000, s5;
	s9 =	sadd.s32 $0x10000, s5  }
0x13: {  	s11 =	sadd.s32 $0x3600, s11;
	s12 =	sadd.s32 $0x10, s10;
	s13 =	sadd.s32 $0x34800, s13  }
0x14: {  	v0 =	vimm.f32 $0.0e+00;
	s15 =	sadd.s32 s17, s16;
	s16 =	sadd.s32 s31, s16;
	s17 =	simm.s32 $0x2900  }
.LBB2_1:
0x15: {  	s29 =	simm.s32 $0x0;
	s30 =	simm.s32 $0x200  }
.LBB2_2:
0x16: {  	p0 =	sne.s32 s30, $0xFE00;
	[tilespmem:s29+$0x2970] =	vst v0  }
0x17: {  	[tilespmem:s29+$0x2900] =	vst v0  }
0x18: {  	[tilespmem:s29+$0x2910] =	vst v0  }
.Ltmp0:
0x19: {  	[tilespmem:s29+$0x2920] =	vst v0;
	(pc) =	sbr.rel @p0 .LBB2_2-.Ltmp0, $4  }
0x1a: {  	[tilespmem:s29+$0x2930] =	vst v0  }
0x1b: {  	[tilespmem:s29+$0x2940] =	vst v0  }
0x1c: {  	[tilespmem:s29+$0x2950] =	vst v0  }
0x1d: {  	[tilespmem:s29+$0x2960] =	vst v0;
	s29 =	sshra.s32 s30, $0x2;
	s30 =	sadd.s32 $0x200, s30  }
0x1e: {  	[tilespmem:s29+$0x2970] =	vst v0  }
0x1f: {  	[tilespmem:s29+$0x2900] =	vst v0  }
0x20: {  	[tilespmem:s29+$0x2910] =	vst v0  }
0x21: {  	[tilespmem:s29+$0x2920] =	vst v0  }
0x22: {  	[tilespmem:s29+$0x2930] =	vst v0  }
0x23: {  	[tilespmem:s29+$0x2940] =	vst v0  }
0x24: {  	[tilespmem:s29+$0x2950] =	vst v0  }
0x25: {  	[tilespmem:s29+$0x2960] =	vst v0  }
0x26: {  	[spmem:s5] =	stream.linear.scatter [tilespmem:s17], [sflag:$0x5], $0x4000, $0x38;
	[tilespmem:$0x1E900] =	vst v63  }
0x27: {  	_ =	swait.ge [sflag:s18], $0x4000  }
0x28: {  	[sflag:s18] =	ssyncset.done $0x0  }
0x29: {  	[sflag:s18] =	ssyncadd.s32 $0xFFFFC000  }
0x2a: {  	[spmem:s6] =	stream.linear.scatter [tilespmem:s17], [sflag:$0x5], $0x4000, $0x38;
	[tilespmem:$0x1E900] =	vst v63  }
0x2b: {  	_ =	swait.ge [sflag:s18], $0x4000  }
0x2c: {  	[sflag:s18] =	ssyncset.done $0x0  }
0x2d: {  	[sflag:s18] =	ssyncadd.s32 $0xFFFFC000  }
0x2e: {  	[spmem:s7] =	stream.linear.scatter [tilespmem:s17], [sflag:$0x5], $0x4000, $0x38;
	[tilespmem:$0x1E900] =	vst v63  }
0x2f: {  	_ =	swait.ge [sflag:s18], $0x4000  }
0x30: {  	[sflag:s18] =	ssyncset.done $0x0  }
0x31: {  	[sflag:s18] =	ssyncadd.s32 $0xFFFFC000  }
0x32: {  	[spmem:s8] =	stream.linear.scatter [tilespmem:s17], [sflag:$0x5], $0x4000, $0x38;
	[tilespmem:$0x1E900] =	vst v63  }
0x33: {  	_ =	swait.ge [sflag:s18], $0x4000  }
0x34: {  	[sflag:s18] =	ssyncset.done $0x0  }
0x35: {  	[sflag:s18] =	ssyncadd.s32 $0xFFFFC000  }
0x36: {  	[spmem:s9] =	stream.linear.scatter [tilespmem:s17], [sflag:$0x5], $0x4000, $0x38;
	[tilespmem:$0x1E900] =	vst v63  }
0x37: {  	_ =	swait.ge [sflag:s18], $0x4000  }
0x38: {  	[sflag:s18] =	ssyncset.done $0x0  }
0x39: {  	s29 =	simm.s32 $0x0;
	[sflag:s18] =	ssyncadd.s32 $0xFFFFC000  }
0x3a: {  	[tilespmem:s29], [sflag:$0x5] =	stream.linear.gather [hbm4b:s11+s29], $0x2800, $0x38;
	[tilespmem:$0x1E900] =	vst v63  }
0x3b: {  	_ =	swait.ge [sflag:s18], $0x2800  }
0x3c: {  	[sflag:s18] =	ssyncset.done $0x0  }
0x3d: {  	[sflag:s18] =	ssyncadd.s32 $0xFFFFD800  }
0x3e: {  	[bflag:$0x0] =	sbarrier.arrive $0xFFFF  }
0x3f: {  	[tilespmem:s17], [sflag:$0x1] =	stream.indirect.gather [hbm4b:s4+s19], $0x80, s29, s19, $0xb8;
	[tilespmem:$0x1E900] =	vst v63  }
0x40: {  	_ = 	snop  }
0x41: {  	[tilespmem:s20], [sflag:$0x3] =	stream.linear.gather [hbm4b:s10+s29], $0x80, $0x38;
	[tilespmem:$0x1E900] =	vst v63  }
0x42: {  	_ = 	snop  }
0x43: {  	[tilespmem:s21], [sflag:$0x2] =	stream.indirect.gather [hbm4b:s4+s19], $0x80, s19, s19, $0xb8;
	[tilespmem:$0x1E900] =	vst v63  }
0x44: {  	_ = 	snop  }
0x45: {  	[tilespmem:s22], [sflag:$0x4] =	stream.linear.gather [hbm4b:s12+s29], $0x80, $0x38;
	[tilespmem:$0x1E900] =	vst v63  }
0x46: {  	_ =	swait.ge [sflag:s23], $0x4000  }
0x47: {  	[sflag:s23] =	ssyncset.done $0x0  }
0x48: {  	[sflag:s23] =	ssyncadd.s32 $0xFFFFC000  }
0x49: {  	_ =	swait.ge [sflag:s24], $0x80  }
0x4a: {  	[sflag:s24] =	ssyncset.done $0x0  }
0x4b: {  	[sflag:s24] =	ssyncadd.s32 $0xFFFFFF80  }
0x4c: {  	[spmem:s2] =	stream.indirect.scatter.add.f32 [tilespmem:s17], [sflag:$0x5], $0x80, s20, s19, $0xb8;
	[tilespmem:$0x1E900] =	vst v63  }
0x4d: {  	_ =	swait.ge [sflag:s18], $0x4000  }
0x4e: {  	[sflag:s18] =	ssyncset.done $0x0  }
0x4f: {  	s29 =	simm.s32 $0x100;
	[sflag:s18] =	ssyncadd.s32 $0xFFFFC000  }
0x50: {  	[tilespmem:s17], [sflag:$0x1] =	stream.indirect.gather [hbm4b:s4+s19], $0x80, s29, s19, $0xb8;
	[tilespmem:$0x1E900] =	vst v63  }
0x51: {  	s29 =	sadd.s32 $0x0, s15  }
0x52: {  	[tilespmem:s20], [sflag:$0x3] =	stream.linear.gather [hbm4b:s29+s3], $0x80, $0x38;
	[tilespmem:$0x1E900] =	vst v63  }
0x53: {  	_ =	swait.ge [sflag:s25], $0x4000  }
0x54: {  	[sflag:s25] =	ssyncset.done $0x0  }
0x55: {  	[sflag:s25] =	ssyncadd.s32 $0xFFFFC000  }
0x56: {  	_ =	swait.ge [sflag:s26], $0x80  }
0x57: {  	[sflag:s26] =	ssyncset.done $0x0  }
0x58: {  	[sflag:s26] =	ssyncadd.s32 $0xFFFFFF80  }
0x59: {  	[spmem:s2] =	stream.indirect.scatter.add.f32 [tilespmem:s21], [sflag:$0x5], $0x80, s22, s19, $0xb8;
	[tilespmem:$0x1E900] =	vst v63  }
0x5a: {  	_ =	swait.ge [sflag:s18], $0x4000  }
0x5b: {  	[sflag:s18] =	ssyncset.done $0x0  }
0x5c: {  	s29 =	simm.s32 $0x180;
	[sflag:s18] =	ssyncadd.s32 $0xFFFFC000  }
0x5d: {  	[tilespmem:s21], [sflag:$0x2] =	stream.indirect.gather [hbm4b:s4+s19], $0x80, s29, s19, $0xb8;
	[tilespmem:$0x1E900] =	vst v63  }
0x5e: {  	s31 =	sadd.s32 $0x0, s16;
	s30 =	simm.s32 $0x200;
	s29 =	simm.s32 $0x20  }
.LBB2_4:
0x5f: {  	[tilespmem:s22], [sflag:$0x4] =	stream.linear.gather [hbm4b:s31+s3], $0x80, $0x38;
	[tilespmem:$0x1E900] =	vst v63  }
0x60: {  	s31 =	smov.u32 s29  }
0x61: {  	p0 =	sne.s32 s29, $0x4C0;
	s29 =	sadd.s32 $0x20, s29;
	_ =	swait.ge [sflag:s23], $0x4000  }
0x62: {  	[sflag:s23] =	ssyncset.done $0x0  }
0x63: {  	[sflag:s23] =	ssyncadd.s32 $0xFFFFC000  }
0x64: {  	_ =	swait.ge [sflag:s24], $0x80  }
0x65: {  	[sflag:s24] =	ssyncset.done $0x0  }
0x66: {  	[sflag:s24] =	ssyncadd.s32 $0xFFFFFF80  }
0x67: {  	[spmem:s2] =	stream.indirect.scatter.add.f32 [tilespmem:s17], [sflag:$0x5], $0x80, s20, s19, $0xb8;
	[tilespmem:$0x1E900] =	vst v63  }
0x68: {  	_ =	swait.ge [sflag:s18], $0x4000  }
0x69: {  	[sflag:s18] =	ssyncset.done $0x0  }
0x6a: {  	[sflag:s18] =	ssyncadd.s32 $0xFFFFC000  }
0x6b: {  	[tilespmem:s17], [sflag:$0x1] =	stream.indirect.gather [hbm4b:s4+s19], $0x80, s30, s19, $0xb8;
	[tilespmem:$0x1E900] =	vst v63  }
0x6c: {  	s0 =	sadd.s32 s31, s15  }
0x6d: {  	[tilespmem:s20], [sflag:$0x3] =	stream.linear.gather [hbm4b:s0+s3], $0x80, $0x38;
	[tilespmem:$0x1E900] =	vst v63  }
0x6e: {  	_ =	swait.ge [sflag:s25], $0x4000  }
0x6f: {  	[sflag:s25] =	ssyncset.done $0x0  }
0x70: {  	[sflag:s25] =	ssyncadd.s32 $0xFFFFC000  }
0x71: {  	_ =	swait.ge [sflag:s26], $0x80  }
0x72: {  	[sflag:s26] =	ssyncset.done $0x0  }
0x73: {  	[sflag:s26] =	ssyncadd.s32 $0xFFFFFF80  }
0x74: {  	[spmem:s2] =	stream.indirect.scatter.add.f32 [tilespmem:s21], [sflag:$0x5], $0x80, s22, s19, $0xb8;
	[tilespmem:$0x1E900] =	vst v63  }
.Ltmp1:
0x75: {  	_ =	swait.ge [sflag:s18], $0x4000;
	(pc) =	sbr.rel @p0 .LBB2_4-.Ltmp1, $4  }
0x76: {  	[sflag:s18] =	ssyncset.done $0x0  }
0x77: {  	s0 =	sadd.s32 $0x80, s30;
	[sflag:s18] =	ssyncadd.s32 $0xFFFFC000  }
0x78: {  	[tilespmem:s21], [sflag:$0x2] =	stream.indirect.gather [hbm4b:s4+s19], $0x80, s0, s19, $0xb8;
	[tilespmem:$0x1E900] =	vst v63  }
0x79: {  	s31 =	sadd.s32 s31, s16;
	s30 =	sadd.s32 $0x100, s30  }
0x7a: {  	[tilespmem:s22], [sflag:$0x4] =	stream.linear.gather [hbm4b:s31+s3], $0x80, $0x38;
	[tilespmem:$0x1E900] =	vst v63  }
0x7b: {  	_ =	swait.ge [sflag:s23], $0x4000  }
0x7c: {  	[sflag:s23] =	ssyncset.done $0x0  }
0x7d: {  	[sflag:s23] =	ssyncadd.s32 $0xFFFFC000  }
0x7e: {  	_ =	swait.ge [sflag:s24], $0x80  }
0x7f: {  	[sflag:s24] =	ssyncset.done $0x0  }
0x80: {  	[sflag:s24] =	ssyncadd.s32 $0xFFFFFF80  }
0x81: {  	[spmem:s2] =	stream.indirect.scatter.add.f32 [tilespmem:s17], [sflag:$0x5], $0x80, s20, s19, $0xb8;
	[tilespmem:$0x1E900] =	vst v63  }
0x82: {  	_ =	swait.ge [sflag:s18], $0x4000  }
0x83: {  	[sflag:s18] =	ssyncset.done $0x0  }
0x84: {  	[sflag:s18] =	ssyncadd.s32 $0xFFFFC000  }
0x85: {  	_ =	swait.ge [sflag:s25], $0x4000  }
0x86: {  	[sflag:s25] =	ssyncset.done $0x0  }
0x87: {  	[sflag:s25] =	ssyncadd.s32 $0xFFFFC000  }
0x88: {  	_ =	swait.ge [sflag:s26], $0x80  }
0x89: {  	[sflag:s26] =	ssyncset.done $0x0  }
0x8a: {  	[sflag:s26] =	ssyncadd.s32 $0xFFFFFF80  }
0x8b: {  	[spmem:s2] =	stream.indirect.scatter.add.f32 [tilespmem:s21], [sflag:$0x5], $0x80, s22, s19, $0xb8;
	[tilespmem:$0x1E900] =	vst v63  }
0x8c: {  	_ =	swait.ge [sflag:s18], $0x4000  }
0x8d: {  	s0 =	sshll.u32 s1, $0x6;
	s28 =	sadd.s32 $0x1, s28;
	[sflag:s18] =	ssyncset.done $0x0  }
0x8e: {  	s29 =	sshrl.u32 s5, $0x3;
	p0 =	sne.s32 s28, s14;
	[sflag:s18] =	ssyncadd.s32 $0xFFFFC000  }
.Ltmp2:
0x8f: {  	s0 =	sor.u32 $0x1C05, s0;
	[bflag:$0x0] =	sbarrier.arrive $0xFFFF;
	(pc) =	sbr.rel @p0 .LBB2_1-.Ltmp2, $4  }
0x90: {  	[hbm:s13], [sflag:s0] =	dma.local [spmem:s29], $0x2800  }
0x91: {  	_ =	swait.ge [sflag:s18], $0x2800  }
0x92: {  	[sflag:s18] =	ssyncset.done $0x0  }
0x93: {  	[sflag:s18] =	ssyncadd.s32 $0xFFFFD800  }
0x94: {  	_ =	sfence.sel $0x180000  }
0x95: {  	[bflag:$0x0] =	sbarrier.arrive $0xFFFF  }
0x96: {  	_ =	strace $0x9000004A  }
0x97: {  	[bflag:$0x2] =	sbarrier.arrive $0xFFFF  }
0x98: {  	p0 =	sne.s32 s1, $0x0;
	s0 =	rddreg [dreg:$0x3]  }
0x99: {  	s0 =	sadd.s32 @!p0 $0x100000, s0  }
0x9a: {  	[sflag:s0] =	ssyncadd.tile.s32 @!p0 $0x1;
	_ =	shalt  }
.Lfunc_end2:
_tile_overlayer_lowered:
.L_overlay_start_2:
0x9b: {  	(tag) =	ssettag $0x2  }
0x9c: {  	s0 =	rddreg [dreg:$0x0];
	s2 =	stileid.u32  }
0x9d: {  	s1 =	rddreg [dreg:$0x1];
	p0 =	sne.s32 s2, $0x0  }
0x9e: {  	s3 =	rddreg [dreg:$0x2];
	[bflag:$0x3] =	sbarrier.arrive $0xFFFF;
	s2 =	simm.s32 @!p0 $0x1C05  }
0x9f: {  	[timem:s3], [sflag:s2] =	dma.local @!p0 [hbm:s0], s1  }
0xa0: {  	s0 =	simm.s32 @!p0 $0x5  }
0xa1: {  	_ =	swait.ge @!p0 [sflag:s0], s1  }
0xa2: {  	s1 =	ssub.s32 @!p0 $0x0, s1;
	[sflag:s0] =	ssyncset.done @!p0 $0x0  }
0xa3: {  	[sflag:s0] =	ssyncadd.s32 @!p0 s1  }
0xa4: {  	[bflag:$0x3] =	sbarrier.arrive $0xFFFF  }
0xa5: {  	_ =	shalt  }

// kernel: kernel.14.cloned.1.call-start
scs
__scs_entry_jumppad:
0x0: {  	(pc) =	sbr.rel $0x88, $3  }
0x1: {  	(tag) =	ssettag $0x0;
	lr =	simm.s32 $0x1  }
0x2: {  	[smem:$0x3F9A] =	sst lr;
	_ =	strace $0xD0000000  }
0x3: {  	_ = 	snop  }
0x4: {  	_ = 	snop  }
0x5: {  	_ = 	snop  }
0x6: {  	_ = 	snop  }
0x7: {  	_ = 	snop  }
__scs_overlays_trampoline_lowered:
0x8: {  	[smem:$0x3FA9] =	sst s0  }
0x9: {  	[smem:$0x3FAA] =	sst s1  }
0xa: {  	[smem:$0x3FAB] =	sst s2  }
0xb: {  	[smem:$0x3FAC] =	sst s3  }
0xc: {  	[smem:$0x3FAD] =	sst s4  }
0xd: {  	[smem:$0x3FAE] =	sst s5  }
0xe: {  	[smem:$0x3FAF] =	sst s6  }
0xf: {  	[smem:$0x3FB0] =	sst s7  }
0x10: {  	[smem:$0x3FB1] =	sst s8  }
0x11: {  	[smem:$0x3FB2] =	sst s9;
	s0 =	simm.s32 @!p0 $0x0  }
0x12: {  	s1 =	sld [smem:$0x3F98];
	s0 =	simm.s32 @p0 $0x1  }
0x13: {  	[smem:$0x3FB3] =	sst s0;
	s0 =	simm.s32 @!p1 $0x0  }
0x14: {  	s2 =	sld [smem:$0x3F97];
	s0 =	simm.s32 @p1 $0x1  }
0x15: {  	[smem:$0x3FB4] =	sst s0;
	s0 =	simm.s32 @!p2 $0x0  }
0x16: {  	s3 =	sld [smem:$0x3FDB];
	s0 =	simm.s32 @p2 $0x1  }
0x17: {  	s4 =	simm.s32 $0x1BF5;
	[smem:$0x3FB6] =	sst s0  }
0x18: {  	s0 =	sld [smem:$0x3F99];
	_ =	swait.ge [sflag:s4], $0x0  }
0x19: {  	s7 =	sld [smem:$0x3F9A]  }
0x1a: {  	s8 =	sadd.s32 $0xFFFFE003, lr  }
0x1b: {  	s9 =	sadd.s32 $0xFFFFFEF7, lr;
	s5 =	simm.s32 $0xFFFFFFFF;
	p2 =	slt.u32 s8, $0xFFFFF086  }
0x1c: {  	p1 =	slt.u32 s9, $0xF7A;
	s5 =	simm.s32 @!p2 $0x0  }
0x1d: {  	s5 =	simm.s32 @p1 $0x1;
	p0 =	seq.s32 s7, s2  }
0x1e: {  	s7 =	smul.u32 @!p0 $0xF7A, s2;
	p2 =	seq.s32 @!p0 s5, $0x0  }
0x1f: {  	s9 =	smul.u32 $0xF7A, s1;
	s8 =	simm.s32 @!p0 $0x1BF5;
	p2 =	por !p2, p0  }
0x20: {  	[sflag:s8] =	ssyncset.s32 @!p0 $0xFFFFF086;
	s6 =	sadd.s32 @!p0 s3, s7;
	s7 =	simm.s32 @!p0 $0x108  }
0x21: {  	s3 =	sadd.s32 s3, s9;
	s6 =	sadd.s32 @!p0 $0x88, s6;
	s7 =	simm.s32 @p2 $0x1082  }
0x22: {  	[simem:s7], [sflag:s8] =	dma.local @!p0 [hbm:s6], $0xF7A  }
0x23: {  	s9 =	sor.u32 $0xD0000000, s2;
	s6 =	simm.s32 $0x108;
	_ =	swait.ge @!p0 [sflag:s8], $0x0  }
0x24: {  	s3 =	sadd.s32 $0x88, s3;
	s6 =	simm.s32 @!p1 $0x1082;
	[sflag:s4] =	ssyncset.s32 $0xFFFFF086  }
0x25: {  	[simem:s6], [sflag:s4] =	dma.local [hbm:s3], $0xF7A  }
0x26: {  	[smem:$0x3F9A] =	sst s1;
	(tag) =	ssettag s2;
	_ =	strace s9  }
0x27: {  	s1 =	sld [smem:$0x3FAA]  }
0x28: {  	s2 =	sld [smem:$0x3FAB]  }
0x29: {  	s4 =	sld [smem:$0x3FAD]  }
0x2a: {  	p0 =	seq.s32 s5, $0x0;
	s5 =	sld [smem:$0x3FAE]  }
0x2b: {  	s6 =	sld [smem:$0x3FAF]  }
0x2c: {  	s7 =	sld [smem:$0x3FB0]  }
0x2d: {  	s3 =	simm.s32 $0x108;
	s8 =	sld [smem:$0x3FB1]  }
0x2e: {  	s3 =	simm.s32 @!p0 $0x1082;
	s9 =	sld [smem:$0x3FB2]  }
0x2f: {  	lr =	sadd.s32 s0, s3;
	s0 =	sld [smem:$0x3FA9]  }
0x30: {  	s3 =	sld [smem:$0x3FAC]  }
0x31: {  	[smem:$0x3FB5] =	sst s10  }
0x32: {  	s10 =	sld [smem:$0x3FB3];
	_ =	sdelay $0x3  }
0x33: {  	p0 =	seq.s32 s10, $0x1;
	s10 =	sld [smem:$0x3FB5];
	_ =	sdelay $0x3  }
0x34: {  	[smem:$0x3FB5] =	sst s10  }
0x35: {  	s10 =	sld [smem:$0x3FB4];
	_ =	sdelay $0x3  }
0x36: {  	p1 =	seq.s32 s10, $0x1;
	s10 =	sld [smem:$0x3FB5];
	_ =	sdelay $0x3  }
0x37: {  	[smem:$0x3FB5] =	sst s10  }
0x38: {  	s10 =	sld [smem:$0x3FB6]  }
0x39: {  	_ = 	snop;
	(pc) =	sbr.ind lr, $3  }
0x3a: {  	_ = 	snop  }
0x3b: {  	_ = 	snop  }
0x3c: {  	p2 =	seq.s32 s10, $0x1;
	s10 =	sld [smem:$0x3FB5]  }
0x3d: {  	_ =	shalt  }
0x3e: {  	_ =	shalt  }
0x3f: {  	_ =	shalt  }
0x40: {  	_ =	shalt  }
0x41: {  	_ =	shalt  }
0x42: {  	_ =	shalt  }
0x43: {  	_ =	shalt  }
0x44: {  	_ =	shalt  }
0x45: {  	_ =	shalt  }
0x46: {  	_ =	shalt  }
0x47: {  	_ =	shalt  }
0x48: {  	_ =	shalt  }
0x49: {  	_ =	shalt  }
0x4a: {  	_ =	shalt  }
0x4b: {  	_ =	shalt  }
0x4c: {  	_ =	shalt  }
0x4d: {  	_ =	shalt  }
0x4e: {  	_ =	shalt  }
0x4f: {  	_ =	shalt  }
0x50: {  	_ =	shalt  }
0x51: {  	_ =	shalt  }
0x52: {  	_ =	shalt  }
0x53: {  	_ =	shalt  }
0x54: {  	_ =	shalt  }
0x55: {  	_ =	shalt  }
0x56: {  	_ =	shalt  }
0x57: {  	_ =	shalt  }
0x58: {  	_ =	shalt  }
0x59: {  	_ =	shalt  }
0x5a: {  	_ =	shalt  }
0x5b: {  	_ =	shalt  }
0x5c: {  	_ =	shalt  }
0x5d: {  	_ =	shalt  }
0x5e: {  	_ =	shalt  }
0x5f: {  	_ =	shalt  }
0x60: {  	_ =	shalt  }
0x61: {  	_ =	shalt  }
0x62: {  	_ =	shalt  }
0x63: {  	_ =	shalt  }
0x64: {  	_ =	shalt  }
0x65: {  	_ =	shalt  }
0x66: {  	_ =	shalt  }
0x67: {  	_ =	shalt  }
0x68: {  	_ =	shalt  }
0x69: {  	_ =	shalt  }
0x6a: {  	_ =	shalt  }
0x6b: {  	_ =	shalt  }
0x6c: {  	_ =	shalt  }
0x6d: {  	_ =	shalt  }
0x6e: {  	_ =	shalt  }
0x6f: {  	_ =	shalt  }
0x70: {  	_ =	shalt  }
0x71: {  	_ =	shalt  }
0x72: {  	_ =	shalt  }
0x73: {  	_ =	shalt  }
0x74: {  	_ =	shalt  }
0x75: {  	_ =	shalt  }
0x76: {  	_ =	shalt  }
0x77: {  	_ =	shalt  }
0x78: {  	_ =	shalt  }
0x79: {  	_ =	shalt  }
0x7a: {  	_ =	shalt  }
0x7b: {  	_ =	shalt  }
0x7c: {  	_ =	shalt  }
0x7d: {  	_ =	shalt  }
0x7e: {  	_ =	shalt  }
0x7f: {  	_ =	shalt  }
0x80: {  	_ =	shalt  }
0x81: {  	_ =	shalt  }
0x82: {  	_ =	shalt  }
0x83: {  	_ =	shalt  }
0x84: {  	_ =	shalt  }
0x85: {  	_ =	shalt  }
0x86: {  	_ =	shalt  }
0x87: {  	_ =	shalt  }
.Lfunc_end0:
.L_simem_size_0:
called_computation.2_lowered:
.L_overlay_start_0:
0x88: {  	s2 =	sld [smem:$0x3FD9]  }
0x89: {  	s3 =	sld [smem:$0x3FFE];
	_ =	sdelay $0x1  }
0x8a: {  	s1 =	srdreg.scid  }
0x8b: {  	s0 =	sand.u32 $0x1, s1  }
0x8c: {  	s17 =	sshll.u32 s0, $0xA;
	s2 =	sadd.s32 s3, s2  }
0x8d: {  	s2 =	sadd.s32 s2, s17  }
0x8e: {  	[smem:$0x3FC1] =	sst s2  }
0x8f: {  	_ = 	snop  }
0x90: {  	s2 =	sld [smem:$0x3FD0];
	(tm) =	ssettm $0x1  }
0x91: {  	s18 =	sld [smem:$0x3FFB];
	_ =	sdelay $0x3  }
0x92: {  	_ =	strace s18  }
0x93: {  	s3 =	sld [smem:$0x3FFC];
	_ =	sdelay $0x3  }
0x94: {  	_ =	strace s3  }
0x95: {  	s3 =	sld [smem:$0x3FFD];
	_ =	sdelay $0x3  }
0x96: {  	_ =	strace s3  }
0x97: {  	_ =	strace $0x8FFFFFFF  }
0x98: {  	s19 =	sld [smem:$0x3FDB];
	_ =	sdelay $0x1  }
0x99: {  	s4 =	simm.s32 $_scs_section_size  }
0x9a: {  	s5 =	simm.s32 $_size__tile_overlayer_lowered;
	s6 =	simm.s32 $_tile_overlayer_lowered  }
0x9b: {  	s22 =	simm.s32 $0x1BFF;
	s21 =	sshll.u32 s6, $0x1;
	s3 =	sadd.s32 s4, s19  }
0x9c: {  	s7 =	simm.s32 $0x0;
	s20 =	sshll.u32 s5, $0x1;
	s5 =	sadd.s32 s21, s3  }
0x9d: {  	[timem:s7], [sflag:s22] =	dma.local [hbm:s5], s20  }
0x9e: {  	_ =	swait.ge [sflag:s22], s20  }
0x9f: {  	s4 =	ssub.s32 $0x0, s20;
	[sflag:s22] =	ssyncset.done $0x0  }
0xa0: {  	[sflag:s22] =	ssyncadd.s32 s4;
	_ =	sdelay $0x1  }
0xa1: {  	s23 =	simm.s32 $0x1B8B  }
0xa2: {  	_ =	swait.ge [sflag:s23], $0x1  }
0xa3: {  	[sflag:s23] =	ssyncset.done $0x0  }
0xa4: {  	s25 =	simm.s32 $0x1B8E;
	s24 =	sld [smem:$0x3FFE];
	[sflag:s23] =	ssyncadd.s32 $0xFFFFFFFF  }
0xa5: {  	s26 =	simm.s32 $execute0_lowered;
	[smem:$0x3FD2] =	sst s25  }
0xa6: {  	s5 =	sshll.u32 s26, $0x1;
	_ =	strace $0x8000004C;
	[dreg:$0x1] =	wrdreg $0xFFFFFFFF  }
0xa7: {  	s28 =	simm.s32 $_size_execute0_lowered;
	s3 =	sadd.s32 s3, s5;
	[dreg:$0x0] =	wrdreg $0x0  }
0xa8: {  	s5 =	sshll.u32 s28, $0x1;
	[dreg:$0x2] =	wrdreg s3  }
0xa9: {  	[dreg:$0x3] =	wrdreg s5  }
0xaa: {  	[dreg:$0x4] =	wrdreg $0xC0  }
0xab: {  	_ =	task [dreg:s7], $0x5FFFF  }
0xac: {  	[dreg:$0x1] =	wrdreg $0xFFFFFFFF  }
0xad: {  	[dreg:$0x0] =	wrdreg $0x60  }
0xae: {  	[dreg:$0x2] =	wrdreg s24  }
0xaf: {  	[dreg:$0x3] =	wrdreg s2  }
0xb0: {  	[dreg:$0x4] =	wrdreg $0xA9000  }
0xb1: {  	[dreg:$0x5] =	wrdreg $0x9  }
0xb2: {  	_ =	task.clear_ibuf [dreg:s7], $0x6FFFF;
	_ =	strace $0x9000004C  }
0xb3: {  	s29 =	simm.s32 $0x9;
	_ =	strace $0x8000004E  }
0xb4: {  	_ =	swait.ge [sflag:s29], $0x1  }
0xb5: {  	[sflag:s29] =	ssyncadd.s32 $0xFFFFFFFF  }
0xb6: {  	_ =	strace $0x9000004E  }
0xb7: {  	_ =	sfence  }
0xb8: {  	s30 =	sld [smem:$0x0];
	_ =	sdelay $0x2  }
0xb9: {  	s31 =	sshll.u32 s1, $0xD;
	s1 =	sshrl.u32 s1, $0x2  }
0xba: {  	s3 =	sand.u32 $0x4000, s31;
	s1 =	sadd.s32 s1, s30  }
0xbb: {  	s0 =	sor.u32 s3, s0;
	s1 =	sshll.u32 s1, $0x11  }
0xbc: {  	s0 =	sor.u32 s1, s0  }
0xbd: {  	s0 =	sadd.s32 $0x8F2B, s0  }
0xbe: {  	[sflag:s0] =	ssyncadd.remote.s32 $0x1  }
0xbf: {  	_ =	sfence.sel $0xFFFF  }
0xc0: {  	[dreg:$0x0] =	wrdreg $0xFFFFFFFF;
	(pc) =	sbr.abs _section_cstart, $3  }
0xc1: {  	[dreg:$0x1] =	wrdreg $0xFFFFFFFF  }
0xc2: {  	_ =	task.clear_ibuf [dreg:s7], $0x2FFFF;
	_ =	strace $0x9FFFFFFF  }
0xc3: {  	(tm) =	ssettm $0x7FFFFFFF  }
tec
execute0_lowered:
.L_overlay_start_1:
0x0: {  	(tag) =	ssettag $0x1  }
0x1: {  	s5 =	rddreg [dreg:$0x0]  }
0x2: {  	s16 =	rddreg [dreg:$0x1]  }
0x3: {  	s0 =	srdreg.scid;
	s2 =	rddreg [dreg:$0x2]  }
0x4: {  	s1 =	stileid.u32;
	s3 =	simm.s32 $0x0;
	s19 =	simm.s32 $0x80  }
0x5: {  	s20 =	simm.s32 $0x2800;
	s21 =	simm.s32 $0x6900;
	s22 =	simm.s32 $0x2880  }
0x6: {  	s23 =	simm.s32 $0x1;
	s24 =	simm.s32 $0x3;
	s8 =	smul.u32 $0x14000, s1  }
0x7: {  	s25 =	simm.s32 $0x2;
	s28 =	simm.s32 $0x0;
	s26 =	smul.u32 $0x50000, s1  }
0x8: {  	s6 =	sand.u32 $0x1, s0;
	s4 =	sshll.u32 s1, $0x1;
	s12 =	smul.u32 $0x5000, s1  }
0x9: {  	[smem:$0x7FF] =	sst s3;
	s7 =	smul.u32 $0x140000, s6;
	s4 =	sor.u32 s6, s4  }
0xa: {  	_ =	strace $0x8000004D;
	s29 =	ssub.s32 $0x2, s6;
	s15 =	smul.u32 $0x2800, s6  }
0xb: {  	s9 =	smul.u32 $0x2800, s4;
	s4 =	sadd.s32 $0xD600, s5;
	s30 =	sshrl.u32 s29, $0x1  }
0xc: {  	s7 =	sadd.s32 s8, s7;
	s8 =	sshrl.u32 s26, $0x2;
	s14 =	ssub.s32 s29, s30  }
0xd: {  	s15 =	sadd.s32 s15, s12;
	s26 =	simm.s32 $0x4;
	s10 =	sshrl.u32 s9, $0x3  }
0xe: {  	s7 =	sshrl.u32 s7, $0x3;
	s17 =	sor.u32 $0x100, s15;
	s18 =	sor.u32 $0x180, s15  }
0xf: {  	s14 =	smax.u32 s14, $0x1;
	s11 =	sadd.s32 s10, s5;
	s13 =	sadd.s32 s7, s5  }
0x10: {  	s5 =	sadd.s32 s8, s2;
	s10 =	sadd.s32 s16, s10;
	s17 =	sshrl.u32 s17, $0x3  }
0x11: {  	s31 =	sshrl.u32 s18, $0x3;
	s18 =	simm.s32 $0x5;
	s6 =	sadd.s32 $0x4000, s5  }
0x12: {  	s7 =	sadd.s32 $0x8000, s5;
	s8 =	sadd.s32 $0xC000, s5;
	s9 =	sadd.s32 $0x10000, s5  }
0x13: {  	s11 =	sadd.s32 $0x3600, s11;
	s12 =	sadd.s32 $0x10, s10;
	s13 =	sadd.s32 $0x34800, s13  }
0x14: {  	v0 =	vimm.f32 $0.0e+00;
	s15 =	sadd.s32 s17, s16;
	s16 =	sadd.s32 s31, s16;
	s17 =	simm.s32 $0x2900  }
.LBB2_1:
0x15: {  	s29 =	simm.s32 $0x0;
	s30 =	simm.s32 $0x200  }
.LBB2_2:
0x16: {  	p0 =	sne.s32 s30, $0xFE00;
	[tilespmem:s29+$0x2970] =	vst v0  }
0x17: {  	[tilespmem:s29+$0x2900] =	vst v0  }
0x18: {  	[tilespmem:s29+$0x2910] =	vst v0  }
.Ltmp0:
0x19: {  	[tilespmem:s29+$0x2920] =	vst v0;
	(pc) =	sbr.rel @p0 .LBB2_2-.Ltmp0, $4  }
0x1a: {  	[tilespmem:s29+$0x2930] =	vst v0  }
0x1b: {  	[tilespmem:s29+$0x2940] =	vst v0  }
0x1c: {  	[tilespmem:s29+$0x2950] =	vst v0  }
0x1d: {  	[tilespmem:s29+$0x2960] =	vst v0;
	s29 =	sshra.s32 s30, $0x2;
	s30 =	sadd.s32 $0x200, s30  }
0x1e: {  	[tilespmem:s29+$0x2970] =	vst v0  }
0x1f: {  	[tilespmem:s29+$0x2900] =	vst v0  }
0x20: {  	[tilespmem:s29+$0x2910] =	vst v0  }
0x21: {  	[tilespmem:s29+$0x2920] =	vst v0  }
0x22: {  	[tilespmem:s29+$0x2930] =	vst v0  }
0x23: {  	[tilespmem:s29+$0x2940] =	vst v0  }
0x24: {  	[tilespmem:s29+$0x2950] =	vst v0  }
0x25: {  	[tilespmem:s29+$0x2960] =	vst v0  }
0x26: {  	[spmem:s5] =	stream.linear.scatter [tilespmem:s17], [sflag:$0x5], $0x4000, $0x38;
	[tilespmem:$0x1E900] =	vst v63  }
0x27: {  	_ =	swait.ge [sflag:s18], $0x4000  }
0x28: {  	[sflag:s18] =	ssyncset.done $0x0  }
0x29: {  	[sflag:s18] =	ssyncadd.s32 $0xFFFFC000  }
0x2a: {  	[spmem:s6] =	stream.linear.scatter [tilespmem:s17], [sflag:$0x5], $0x4000, $0x38;
	[tilespmem:$0x1E900] =	vst v63  }
0x2b: {  	_ =	swait.ge [sflag:s18], $0x4000  }
0x2c: {  	[sflag:s18] =	ssyncset.done $0x0  }
0x2d: {  	[sflag:s18] =	ssyncadd.s32 $0xFFFFC000  }
0x2e: {  	[spmem:s7] =	stream.linear.scatter [tilespmem:s17], [sflag:$0x5], $0x4000, $0x38;
	[tilespmem:$0x1E900] =	vst v63  }
0x2f: {  	_ =	swait.ge [sflag:s18], $0x4000  }
0x30: {  	[sflag:s18] =	ssyncset.done $0x0  }
0x31: {  	[sflag:s18] =	ssyncadd.s32 $0xFFFFC000  }
0x32: {  	[spmem:s8] =	stream.linear.scatter [tilespmem:s17], [sflag:$0x5], $0x4000, $0x38;
	[tilespmem:$0x1E900] =	vst v63  }
0x33: {  	_ =	swait.ge [sflag:s18], $0x4000  }
0x34: {  	[sflag:s18] =	ssyncset.done $0x0  }
0x35: {  	[sflag:s18] =	ssyncadd.s32 $0xFFFFC000  }
0x36: {  	[spmem:s9] =	stream.linear.scatter [tilespmem:s17], [sflag:$0x5], $0x4000, $0x38;
	[tilespmem:$0x1E900] =	vst v63  }
0x37: {  	_ =	swait.ge [sflag:s18], $0x4000  }
0x38: {  	[sflag:s18] =	ssyncset.done $0x0  }
0x39: {  	s29 =	simm.s32 $0x0;
	[sflag:s18] =	ssyncadd.s32 $0xFFFFC000  }
0x3a: {  	[tilespmem:s29], [sflag:$0x5] =	stream.linear.gather [hbm4b:s11+s29], $0x2800, $0x38;
	[tilespmem:$0x1E900] =	vst v63  }
0x3b: {  	_ =	swait.ge [sflag:s18], $0x2800  }
0x3c: {  	[sflag:s18] =	ssyncset.done $0x0  }
0x3d: {  	[sflag:s18] =	ssyncadd.s32 $0xFFFFD800  }
0x3e: {  	[bflag:$0x0] =	sbarrier.arrive $0xFFFF  }
0x3f: {  	[tilespmem:s17], [sflag:$0x1] =	stream.indirect.gather [hbm4b:s4+s19], $0x80, s29, s19, $0xb8;
	[tilespmem:$0x1E900] =	vst v63  }
0x40: {  	_ = 	snop  }
0x41: {  	[tilespmem:s20], [sflag:$0x3] =	stream.linear.gather [hbm4b:s10+s29], $0x80, $0x38;
	[tilespmem:$0x1E900] =	vst v63  }
0x42: {  	_ = 	snop  }
0x43: {  	[tilespmem:s21], [sflag:$0x2] =	stream.indirect.gather [hbm4b:s4+s19], $0x80, s19, s19, $0xb8;
	[tilespmem:$0x1E900] =	vst v63  }
0x44: {  	_ = 	snop  }
0x45: {  	[tilespmem:s22], [sflag:$0x4] =	stream.linear.gather [hbm4b:s12+s29], $0x80, $0x38;
	[tilespmem:$0x1E900] =	vst v63  }
0x46: {  	_ =	swait.ge [sflag:s23], $0x4000  }
0x47: {  	[sflag:s23] =	ssyncset.done $0x0  }
0x48: {  	[sflag:s23] =	ssyncadd.s32 $0xFFFFC000  }
0x49: {  	_ =	swait.ge [sflag:s24], $0x80  }
0x4a: {  	[sflag:s24] =	ssyncset.done $0x0  }
0x4b: {  	[sflag:s24] =	ssyncadd.s32 $0xFFFFFF80  }
0x4c: {  	[spmem:s2] =	stream.indirect.scatter.add.f32 [tilespmem:s17], [sflag:$0x5], $0x80, s20, s19, $0xb8;
	[tilespmem:$0x1E900] =	vst v63  }
0x4d: {  	_ =	swait.ge [sflag:s18], $0x4000  }
0x4e: {  	[sflag:s18] =	ssyncset.done $0x0  }
0x4f: {  	s29 =	simm.s32 $0x100;
	[sflag:s18] =	ssyncadd.s32 $0xFFFFC000  }
0x50: {  	[tilespmem:s17], [sflag:$0x1] =	stream.indirect.gather [hbm4b:s4+s19], $0x80, s29, s19, $0xb8;
	[tilespmem:$0x1E900] =	vst v63  }
0x51: {  	s29 =	sadd.s32 $0x0, s15  }
0x52: {  	[tilespmem:s20], [sflag:$0x3] =	stream.linear.gather [hbm4b:s29+s3], $0x80, $0x38;
	[tilespmem:$0x1E900] =	vst v63  }
0x53: {  	_ =	swait.ge [sflag:s25], $0x4000  }
0x54: {  	[sflag:s25] =	ssyncset.done $0x0  }
0x55: {  	[sflag:s25] =	ssyncadd.s32 $0xFFFFC000  }
0x56: {  	_ =	swait.ge [sflag:s26], $0x80  }
0x57: {  	[sflag:s26] =	ssyncset.done $0x0  }
0x58: {  	[sflag:s26] =	ssyncadd.s32 $0xFFFFFF80  }
0x59: {  	[spmem:s2] =	stream.indirect.scatter.add.f32 [tilespmem:s21], [sflag:$0x5], $0x80, s22, s19, $0xb8;
	[tilespmem:$0x1E900] =	vst v63  }
0x5a: {  	_ =	swait.ge [sflag:s18], $0x4000  }
0x5b: {  	[sflag:s18] =	ssyncset.done $0x0  }
0x5c: {  	s29 =	simm.s32 $0x180;
	[sflag:s18] =	ssyncadd.s32 $0xFFFFC000  }
0x5d: {  	[tilespmem:s21], [sflag:$0x2] =	stream.indirect.gather [hbm4b:s4+s19], $0x80, s29, s19, $0xb8;
	[tilespmem:$0x1E900] =	vst v63  }
0x5e: {  	s31 =	sadd.s32 $0x0, s16;
	s30 =	simm.s32 $0x200;
	s29 =	simm.s32 $0x20  }
.LBB2_4:
0x5f: {  	[tilespmem:s22], [sflag:$0x4] =	stream.linear.gather [hbm4b:s31+s3], $0x80, $0x38;
	[tilespmem:$0x1E900] =	vst v63  }
0x60: {  	s31 =	smov.u32 s29  }
0x61: {  	p0 =	sne.s32 s29, $0x4C0;
	s29 =	sadd.s32 $0x20, s29;
	_ =	swait.ge [sflag:s23], $0x4000  }
0x62: {  	[sflag:s23] =	ssyncset.done $0x0  }
0x63: {  	[sflag:s23] =	ssyncadd.s32 $0xFFFFC000  }
0x64: {  	_ =	swait.ge [sflag:s24], $0x80  }
0x65: {  	[sflag:s24] =	ssyncset.done $0x0  }
0x66: {  	[sflag:s24] =	ssyncadd.s32 $0xFFFFFF80  }
0x67: {  	[spmem:s2] =	stream.indirect.scatter.add.f32 [tilespmem:s17], [sflag:$0x5], $0x80, s20, s19, $0xb8;
	[tilespmem:$0x1E900] =	vst v63  }
0x68: {  	_ =	swait.ge [sflag:s18], $0x4000  }
0x69: {  	[sflag:s18] =	ssyncset.done $0x0  }
0x6a: {  	[sflag:s18] =	ssyncadd.s32 $0xFFFFC000  }
0x6b: {  	[tilespmem:s17], [sflag:$0x1] =	stream.indirect.gather [hbm4b:s4+s19], $0x80, s30, s19, $0xb8;
	[tilespmem:$0x1E900] =	vst v63  }
0x6c: {  	s0 =	sadd.s32 s31, s15  }
0x6d: {  	[tilespmem:s20], [sflag:$0x3] =	stream.linear.gather [hbm4b:s0+s3], $0x80, $0x38;
	[tilespmem:$0x1E900] =	vst v63  }
0x6e: {  	_ =	swait.ge [sflag:s25], $0x4000  }
0x6f: {  	[sflag:s25] =	ssyncset.done $0x0  }
0x70: {  	[sflag:s25] =	ssyncadd.s32 $0xFFFFC000  }
0x71: {  	_ =	swait.ge [sflag:s26], $0x80  }
0x72: {  	[sflag:s26] =	ssyncset.done $0x0  }
0x73: {  	[sflag:s26] =	ssyncadd.s32 $0xFFFFFF80  }
0x74: {  	[spmem:s2] =	stream.indirect.scatter.add.f32 [tilespmem:s21], [sflag:$0x5], $0x80, s22, s19, $0xb8;
	[tilespmem:$0x1E900] =	vst v63  }
.Ltmp1:
0x75: {  	_ =	swait.ge [sflag:s18], $0x4000;
	(pc) =	sbr.rel @p0 .LBB2_4-.Ltmp1, $4  }
0x76: {  	[sflag:s18] =	ssyncset.done $0x0  }
0x77: {  	s0 =	sadd.s32 $0x80, s30;
	[sflag:s18] =	ssyncadd.s32 $0xFFFFC000  }
0x78: {  	[tilespmem:s21], [sflag:$0x2] =	stream.indirect.gather [hbm4b:s4+s19], $0x80, s0, s19, $0xb8;
	[tilespmem:$0x1E900] =	vst v63  }
0x79: {  	s31 =	sadd.s32 s31, s16;
	s30 =	sadd.s32 $0x100, s30  }
0x7a: {  	[tilespmem:s22], [sflag:$0x4] =	stream.linear.gather [hbm4b:s31+s3], $0x80, $0x38;
	[tilespmem:$0x1E900] =	vst v63  }
0x7b: {  	_ =	swait.ge [sflag:s23], $0x4000  }
0x7c: {  	[sflag:s23] =	ssyncset.done $0x0  }
0x7d: {  	[sflag:s23] =	ssyncadd.s32 $0xFFFFC000  }
0x7e: {  	_ =	swait.ge [sflag:s24], $0x80  }
0x7f: {  	[sflag:s24] =	ssyncset.done $0x0  }
0x80: {  	[sflag:s24] =	ssyncadd.s32 $0xFFFFFF80  }
0x81: {  	[spmem:s2] =	stream.indirect.scatter.add.f32 [tilespmem:s17], [sflag:$0x5], $0x80, s20, s19, $0xb8;
	[tilespmem:$0x1E900] =	vst v63  }
0x82: {  	_ =	swait.ge [sflag:s18], $0x4000  }
0x83: {  	[sflag:s18] =	ssyncset.done $0x0  }
0x84: {  	[sflag:s18] =	ssyncadd.s32 $0xFFFFC000  }
0x85: {  	_ =	swait.ge [sflag:s25], $0x4000  }
0x86: {  	[sflag:s25] =	ssyncset.done $0x0  }
0x87: {  	[sflag:s25] =	ssyncadd.s32 $0xFFFFC000  }
0x88: {  	_ =	swait.ge [sflag:s26], $0x80  }
0x89: {  	[sflag:s26] =	ssyncset.done $0x0  }
0x8a: {  	[sflag:s26] =	ssyncadd.s32 $0xFFFFFF80  }
0x8b: {  	[spmem:s2] =	stream.indirect.scatter.add.f32 [tilespmem:s21], [sflag:$0x5], $0x80, s22, s19, $0xb8;
	[tilespmem:$0x1E900] =	vst v63  }
0x8c: {  	_ =	swait.ge [sflag:s18], $0x4000  }
0x8d: {  	s0 =	sshll.u32 s1, $0x6;
	s28 =	sadd.s32 $0x1, s28;
	[sflag:s18] =	ssyncset.done $0x0  }
0x8e: {  	s29 =	sshrl.u32 s5, $0x3;
	p0 =	sne.s32 s28, s14;
	[sflag:s18] =	ssyncadd.s32 $0xFFFFC000  }
.Ltmp2:
0x8f: {  	s0 =	sor.u32 $0x1C05, s0;
	[bflag:$0x0] =	sbarrier.arrive $0xFFFF;
	(pc) =	sbr.rel @p0 .LBB2_1-.Ltmp2, $4  }
0x90: {  	[hbm:s13], [sflag:s0] =	dma.local [spmem:s29], $0x2800  }
0x91: {  	_ =	swait.ge [sflag:s18], $0x2800  }
0x92: {  	[sflag:s18] =	ssyncset.done $0x0  }
0x93: {  	[sflag:s18] =	ssyncadd.s32 $0xFFFFD800  }
0x94: {  	_ =	sfence.sel $0x180000  }
0x95: {  	[bflag:$0x0] =	sbarrier.arrive $0xFFFF  }
0x96: {  	_ =	strace $0x9000004D  }
0x97: {  	[bflag:$0x2] =	sbarrier.arrive $0xFFFF  }
0x98: {  	p0 =	sne.s32 s1, $0x0;
	s0 =	rddreg [dreg:$0x3]  }
0x99: {  	s0 =	sadd.s32 @!p0 $0x100000, s0  }
0x9a: {  	[sflag:s0] =	ssyncadd.tile.s32 @!p0 $0x1;
	_ =	shalt  }
.Lfunc_end2:
_tile_overlayer_lowered:
.L_overlay_start_2:
0x9b: {  	(tag) =	ssettag $0x2  }
0x9c: {  	s0 =	rddreg [dreg:$0x0];
	s2 =	stileid.u32  }
0x9d: {  	s1 =	rddreg [dreg:$0x1];
	p0 =	sne.s32 s2, $0x0  }
0x9e: {  	s3 =	rddreg [dreg:$0x2];
	[bflag:$0x3] =	sbarrier.arrive $0xFFFF;
	s2 =	simm.s32 @!p0 $0x1C05  }
0x9f: {  	[timem:s3], [sflag:s2] =	dma.local @!p0 [hbm:s0], s1  }
0xa0: {  	s0 =	simm.s32 @!p0 $0x5  }
0xa1: {  	_ =	swait.ge @!p0 [sflag:s0], s1  }
0xa2: {  	s1 =	ssub.s32 @!p0 $0x0, s1;
	[sflag:s0] =	ssyncset.done @!p0 $0x0  }
0xa3: {  	[sflag:s0] =	ssyncadd.s32 @!p0 s1  }
0xa4: {  	[bflag:$0x3] =	sbarrier.arrive $0xFFFF  }
0xa5: {  	_ =	shalt  }

// kernel: kernel.8.cloned.1.call-start
scs
__scs_entry_jumppad:
0x0: {  	(pc) =	sbr.rel $0x88, $3  }
0x1: {  	(tag) =	ssettag $0x0;
	lr =	simm.s32 $0x1  }
0x2: {  	[smem:$0x3F9A] =	sst lr;
	_ =	strace $0xD0000000  }
0x3: {  	_ = 	snop  }
0x4: {  	_ = 	snop  }
0x5: {  	_ = 	snop  }
0x6: {  	_ = 	snop  }
0x7: {  	_ = 	snop  }
__scs_overlays_trampoline_lowered:
0x8: {  	[smem:$0x3FA9] =	sst s0  }
0x9: {  	[smem:$0x3FAA] =	sst s1  }
0xa: {  	[smem:$0x3FAB] =	sst s2  }
0xb: {  	[smem:$0x3FAC] =	sst s3  }
0xc: {  	[smem:$0x3FAD] =	sst s4  }
0xd: {  	[smem:$0x3FAE] =	sst s5  }
0xe: {  	[smem:$0x3FAF] =	sst s6  }
0xf: {  	[smem:$0x3FB0] =	sst s7  }
0x10: {  	[smem:$0x3FB1] =	sst s8  }
0x11: {  	[smem:$0x3FB2] =	sst s9;
	s0 =	simm.s32 @!p0 $0x0  }
0x12: {  	s1 =	sld [smem:$0x3F98];
	s0 =	simm.s32 @p0 $0x1  }
0x13: {  	[smem:$0x3FB3] =	sst s0;
	s0 =	simm.s32 @!p1 $0x0  }
0x14: {  	s2 =	sld [smem:$0x3F97];
	s0 =	simm.s32 @p1 $0x1  }
0x15: {  	[smem:$0x3FB4] =	sst s0;
	s0 =	simm.s32 @!p2 $0x0  }
0x16: {  	s3 =	sld [smem:$0x3FDB];
	s0 =	simm.s32 @p2 $0x1  }
0x17: {  	s4 =	simm.s32 $0x1BF5;
	[smem:$0x3FB6] =	sst s0  }
0x18: {  	s0 =	sld [smem:$0x3F99];
	_ =	swait.ge [sflag:s4], $0x0  }
0x19: {  	s7 =	sld [smem:$0x3F9A]  }
0x1a: {  	s8 =	sadd.s32 $0xFFFFE003, lr  }
0x1b: {  	s9 =	sadd.s32 $0xFFFFFEF7, lr;
	s5 =	simm.s32 $0xFFFFFFFF;
	p2 =	slt.u32 s8, $0xFFFFF086  }
0x1c: {  	p1 =	slt.u32 s9, $0xF7A;
	s5 =	simm.s32 @!p2 $0x0  }
0x1d: {  	s5 =	simm.s32 @p1 $0x1;
	p0 =	seq.s32 s7, s2  }
0x1e: {  	s7 =	smul.u32 @!p0 $0xF7A, s2;
	p2 =	seq.s32 @!p0 s5, $0x0  }
0x1f: {  	s9 =	smul.u32 $0xF7A, s1;
	s8 =	simm.s32 @!p0 $0x1BF5;
	p2 =	por !p2, p0  }
0x20: {  	[sflag:s8] =	ssyncset.s32 @!p0 $0xFFFFF086;
	s6 =	sadd.s32 @!p0 s3, s7;
	s7 =	simm.s32 @!p0 $0x108  }
0x21: {  	s3 =	sadd.s32 s3, s9;
	s6 =	sadd.s32 @!p0 $0x88, s6;
	s7 =	simm.s32 @p2 $0x1082  }
0x22: {  	[simem:s7], [sflag:s8] =	dma.local @!p0 [hbm:s6], $0xF7A  }
0x23: {  	s9 =	sor.u32 $0xD0000000, s2;
	s6 =	simm.s32 $0x108;
	_ =	swait.ge @!p0 [sflag:s8], $0x0  }
0x24: {  	s3 =	sadd.s32 $0x88, s3;
	s6 =	simm.s32 @!p1 $0x1082;
	[sflag:s4] =	ssyncset.s32 $0xFFFFF086  }
0x25: {  	[simem:s6], [sflag:s4] =	dma.local [hbm:s3], $0xF7A  }
0x26: {  	[smem:$0x3F9A] =	sst s1;
	(tag) =	ssettag s2;
	_ =	strace s9  }
0x27: {  	s1 =	sld [smem:$0x3FAA]  }
0x28: {  	s2 =	sld [smem:$0x3FAB]  }
0x29: {  	s4 =	sld [smem:$0x3FAD]  }
0x2a: {  	p0 =	seq.s32 s5, $0x0;
	s5 =	sld [smem:$0x3FAE]  }
0x2b: {  	s6 =	sld [smem:$0x3FAF]  }
0x2c: {  	s7 =	sld [smem:$0x3FB0]  }
0x2d: {  	s3 =	simm.s32 $0x108;
	s8 =	sld [smem:$0x3FB1]  }
0x2e: {  	s3 =	simm.s32 @!p0 $0x1082;
	s9 =	sld [smem:$0x3FB2]  }
0x2f: {  	lr =	sadd.s32 s0, s3;
	s0 =	sld [smem:$0x3FA9]  }
0x30: {  	s3 =	sld [smem:$0x3FAC]  }
0x31: {  	[smem:$0x3FB5] =	sst s10  }
0x32: {  	s10 =	sld [smem:$0x3FB3];
	_ =	sdelay $0x3  }
0x33: {  	p0 =	seq.s32 s10, $0x1;
	s10 =	sld [smem:$0x3FB5];
	_ =	sdelay $0x3  }
0x34: {  	[smem:$0x3FB5] =	sst s10  }
0x35: {  	s10 =	sld [smem:$0x3FB4];
	_ =	sdelay $0x3  }
0x36: {  	p1 =	seq.s32 s10, $0x1;
	s10 =	sld [smem:$0x3FB5];
	_ =	sdelay $0x3  }
0x37: {  	[smem:$0x3FB5] =	sst s10  }
0x38: {  	s10 =	sld [smem:$0x3FB6]  }
0x39: {  	_ = 	snop;
	(pc) =	sbr.ind lr, $3  }
0x3a: {  	_ = 	snop  }
0x3b: {  	_ = 	snop  }
0x3c: {  	p2 =	seq.s32 s10, $0x1;
	s10 =	sld [smem:$0x3FB5]  }
0x3d: {  	_ =	shalt  }
0x3e: {  	_ =	shalt  }
0x3f: {  	_ =	shalt  }
0x40: {  	_ =	shalt  }
0x41: {  	_ =	shalt  }
0x42: {  	_ =	shalt  }
0x43: {  	_ =	shalt  }
0x44: {  	_ =	shalt  }
0x45: {  	_ =	shalt  }
0x46: {  	_ =	shalt  }
0x47: {  	_ =	shalt  }
0x48: {  	_ =	shalt  }
0x49: {  	_ =	shalt  }
0x4a: {  	_ =	shalt  }
0x4b: {  	_ =	shalt  }
0x4c: {  	_ =	shalt  }
0x4d: {  	_ =	shalt  }
0x4e: {  	_ =	shalt  }
0x4f: {  	_ =	shalt  }
0x50: {  	_ =	shalt  }
0x51: {  	_ =	shalt  }
0x52: {  	_ =	shalt  }
0x53: {  	_ =	shalt  }
0x54: {  	_ =	shalt  }
0x55: {  	_ =	shalt  }
0x56: {  	_ =	shalt  }
0x57: {  	_ =	shalt  }
0x58: {  	_ =	shalt  }
0x59: {  	_ =	shalt  }
0x5a: {  	_ =	shalt  }
0x5b: {  	_ =	shalt  }
0x5c: {  	_ =	shalt  }
0x5d: {  	_ =	shalt  }
0x5e: {  	_ =	shalt  }
0x5f: {  	_ =	shalt  }
0x60: {  	_ =	shalt  }
0x61: {  	_ =	shalt  }
0x62: {  	_ =	shalt  }
0x63: {  	_ =	shalt  }
0x64: {  	_ =	shalt  }
0x65: {  	_ =	shalt  }
0x66: {  	_ =	shalt  }
0x67: {  	_ =	shalt  }
0x68: {  	_ =	shalt  }
0x69: {  	_ =	shalt  }
0x6a: {  	_ =	shalt  }
0x6b: {  	_ =	shalt  }
0x6c: {  	_ =	shalt  }
0x6d: {  	_ =	shalt  }
0x6e: {  	_ =	shalt  }
0x6f: {  	_ =	shalt  }
0x70: {  	_ =	shalt  }
0x71: {  	_ =	shalt  }
0x72: {  	_ =	shalt  }
0x73: {  	_ =	shalt  }
0x74: {  	_ =	shalt  }
0x75: {  	_ =	shalt  }
0x76: {  	_ =	shalt  }
0x77: {  	_ =	shalt  }
0x78: {  	_ =	shalt  }
0x79: {  	_ =	shalt  }
0x7a: {  	_ =	shalt  }
0x7b: {  	_ =	shalt  }
0x7c: {  	_ =	shalt  }
0x7d: {  	_ =	shalt  }
0x7e: {  	_ =	shalt  }
0x7f: {  	_ =	shalt  }
0x80: {  	_ =	shalt  }
0x81: {  	_ =	shalt  }
0x82: {  	_ =	shalt  }
0x83: {  	_ =	shalt  }
0x84: {  	_ =	shalt  }
0x85: {  	_ =	shalt  }
0x86: {  	_ =	shalt  }
0x87: {  	_ =	shalt  }
.Lfunc_end0:
.L_simem_size_0:
called_computation_lowered:
.L_overlay_start_0:
0x88: {  	s2 =	sld [smem:$0x3FD9]  }
0x89: {  	s3 =	sld [smem:$0x3FFE];
	_ =	sdelay $0x1  }
0x8a: {  	s1 =	srdreg.scid  }
0x8b: {  	s0 =	sand.u32 $0x1, s1  }
0x8c: {  	s17 =	sshll.u32 s0, $0xA;
	s2 =	sadd.s32 s3, s2  }
0x8d: {  	s2 =	sadd.s32 s2, s17  }
0x8e: {  	[smem:$0x3FC1] =	sst s2  }
0x8f: {  	_ = 	snop  }
0x90: {  	s2 =	sld [smem:$0x3FD0];
	(tm) =	ssettm $0x1  }
0x91: {  	s18 =	sld [smem:$0x3FFB];
	_ =	sdelay $0x3  }
0x92: {  	_ =	strace s18  }
0x93: {  	s3 =	sld [smem:$0x3FFC];
	_ =	sdelay $0x3  }
0x94: {  	_ =	strace s3  }
0x95: {  	s3 =	sld [smem:$0x3FFD];
	_ =	sdelay $0x3  }
0x96: {  	_ =	strace s3  }
0x97: {  	_ =	strace $0x8FFFFFFF  }
0x98: {  	s19 =	sld [smem:$0x3FDB];
	_ =	sdelay $0x1  }
0x99: {  	s4 =	simm.s32 $_scs_section_size  }
0x9a: {  	s5 =	simm.s32 $_size__tile_overlayer_lowered;
	s6 =	simm.s32 $_tile_overlayer_lowered  }
0x9b: {  	s22 =	simm.s32 $0x1BFF;
	s21 =	sshll.u32 s6, $0x1;
	s3 =	sadd.s32 s4, s19  }
0x9c: {  	s7 =	simm.s32 $0x0;
	s20 =	sshll.u32 s5, $0x1;
	s5 =	sadd.s32 s21, s3  }
0x9d: {  	[timem:s7], [sflag:s22] =	dma.local [hbm:s5], s20  }
0x9e: {  	_ =	swait.ge [sflag:s22], s20  }
0x9f: {  	s4 =	ssub.s32 $0x0, s20;
	[sflag:s22] =	ssyncset.done $0x0  }
0xa0: {  	[sflag:s22] =	ssyncadd.s32 s4;
	_ =	sdelay $0x1  }
0xa1: {  	s23 =	simm.s32 $0x1B8B  }
0xa2: {  	_ =	swait.ge [sflag:s23], $0x1  }
0xa3: {  	[sflag:s23] =	ssyncset.done $0x0  }
0xa4: {  	s25 =	simm.s32 $0x1B8E;
	s24 =	sld [smem:$0x3FFE];
	[sflag:s23] =	ssyncadd.s32 $0xFFFFFFFF  }
0xa5: {  	s26 =	simm.s32 $execute0_lowered;
	[smem:$0x3FD2] =	sst s25  }
0xa6: {  	s5 =	sshll.u32 s26, $0x1;
	_ =	strace $0x80000046;
	[dreg:$0x1] =	wrdreg $0xFFFFFFFF  }
0xa7: {  	s28 =	simm.s32 $_size_execute0_lowered;
	s3 =	sadd.s32 s3, s5;
	[dreg:$0x0] =	wrdreg $0x0  }
0xa8: {  	s5 =	sshll.u32 s28, $0x1;
	[dreg:$0x2] =	wrdreg s3  }
0xa9: {  	[dreg:$0x3] =	wrdreg s5  }
0xaa: {  	[dreg:$0x4] =	wrdreg $0xC0  }
0xab: {  	_ =	task [dreg:s7], $0x5FFFF  }
0xac: {  	[dreg:$0x1] =	wrdreg $0xFFFFFFFF  }
0xad: {  	[dreg:$0x0] =	wrdreg $0x60  }
0xae: {  	[dreg:$0x2] =	wrdreg s2  }
0xaf: {  	[dreg:$0x3] =	wrdreg s24  }
0xb0: {  	[dreg:$0x4] =	wrdreg $0x3800  }
0xb1: {  	[dreg:$0x5] =	wrdreg $0x9  }
0xb2: {  	_ =	task.clear_ibuf [dreg:s7], $0x6FFFF;
	_ =	strace $0x90000046  }
0xb3: {  	s29 =	simm.s32 $0x9;
	_ =	strace $0x80000048  }
0xb4: {  	_ =	swait.ge [sflag:s29], $0x1  }
0xb5: {  	[sflag:s29] =	ssyncadd.s32 $0xFFFFFFFF  }
0xb6: {  	_ =	strace $0x90000048  }
0xb7: {  	_ =	sfence  }
0xb8: {  	s30 =	sld [smem:$0x0];
	_ =	sdelay $0x2  }
0xb9: {  	s31 =	sshll.u32 s1, $0xD;
	s1 =	sshrl.u32 s1, $0x2  }
0xba: {  	s3 =	sand.u32 $0x4000, s31;
	s1 =	sadd.s32 s1, s30  }
0xbb: {  	s0 =	sor.u32 s3, s0;
	s1 =	sshll.u32 s1, $0x11  }
0xbc: {  	s0 =	sor.u32 s1, s0  }
0xbd: {  	s0 =	sadd.s32 $0x8F2B, s0  }
0xbe: {  	[sflag:s0] =	ssyncadd.remote.s32 $0x1  }
0xbf: {  	_ =	sfence.sel $0xFFFF  }
0xc0: {  	[dreg:$0x0] =	wrdreg $0xFFFFFFFF;
	(pc) =	sbr.abs _section_cstart, $3  }
0xc1: {  	[dreg:$0x1] =	wrdreg $0xFFFFFFFF  }
0xc2: {  	_ =	task.clear_ibuf [dreg:s7], $0x2FFFF;
	_ =	strace $0x9FFFFFFF  }
0xc3: {  	(tm) =	ssettm $0x7FFFFFFF  }
tec
execute0_lowered:
.L_overlay_start_1:
0x0: {  	(tag) =	ssettag $0x1  }
0x1: {  	s5 =	rddreg [dreg:$0x0]  }
0x2: {  	s1 =	srdreg.scid;
	s4 =	rddreg [dreg:$0x1]  }
0x3: {  	s0 =	stileid.u32;
	s2 =	rddreg [dreg:$0x2]  }
0x4: {  	s3 =	simm.s32 $0x0;
	s13 =	simm.s32 $0x20;
	s14 =	simm.s32 $0x10  }
0x5: {  	s6 =	sand.u32 $0x1, s1;
	s7 =	smul.u32 $0x500, s0;
	s1 =	rddreg [dreg:$0x3]  }
0x6: {  	s15 =	simm.s32 $0x0;
	[smem:$0x7FF] =	sst s3;
	s28 =	smul.u32 $0xA00, s0  }
0x7: {  	s31 =	sshll.u32 s0, $0x6;
	s8 =	sshll.u32 s6, $0x7;
	_ =	strace $0x80000047  }
0x8: {  	s29 =	ssub.s32 $0x2, s6;
	s11 =	smul.u32 $0x500, s6;
	s7 =	sor.u32 s8, s7  }
0x9: {  	s9 =	sshrl.u32 s29, $0x1;
	s10 =	sshrl.u32 s28, $0x2;
	s8 =	sadd.s32 s28, s5  }
0xa: {  	s7 =	sshrl.u32 s7, $0x3;
	s30 =	ssub.s32 s29, s9;
	s9 =	simm.s32 $0x1  }
0xb: {  	s7 =	sadd.s32 s7, s4;
	s4 =	sadd.s32 s10, s2;
	s6 =	smax.u32 s30, $0x1  }
0xc: {  	s10 =	simm.s32 $0x80;
	s5 =	sadd.s32 $0x2C00, s7;
	s7 =	sadd.s32 s11, s8  }
0xd: {  	v0 =	vimm.f32 $1.000000000e+00;
	v1 =	vimm.f32 $0.0e+00;
	s8 =	simm.s32 $0x100;
	s11 =	sor.u32 $0x1C01, s31;
	s12 =	sshrl.u32 s4, $0x3  }
.LBB2_1:
0xe: {  	[tilespmem:$0x80] =	vst v0  }
0xf: {  	[tilespmem:$0x90] =	vst v0  }
0x10: {  	[tilespmem:$0xA0] =	vst v0  }
0x11: {  	[tilespmem:$0xB0] =	vst v0  }
0x12: {  	[tilespmem:$0xC0] =	vst v0  }
0x13: {  	[tilespmem:$0xD0] =	vst v0  }
0x14: {  	[tilespmem:$0xE0] =	vst v0  }
0x15: {  	[tilespmem:$0xF0] =	vst v0  }
0x16: {  	[tilespmem:$0x100] =	vst v1  }
0x17: {  	[tilespmem:$0x110] =	vst v1  }
0x18: {  	[tilespmem:$0x120] =	vst v1  }
0x19: {  	[tilespmem:$0x130] =	vst v1  }
0x1a: {  	[tilespmem:$0x140] =	vst v1  }
0x1b: {  	[tilespmem:$0x150] =	vst v1  }
0x1c: {  	[tilespmem:$0x160] =	vst v1  }
0x1d: {  	[tilespmem:$0x170] =	vst v1  }
0x1e: {  	[tilespmem:$0x180] =	vst v1  }
0x1f: {  	[tilespmem:$0x190] =	vst v1  }
0x20: {  	[tilespmem:$0x1A0] =	vst v1  }
0x21: {  	[tilespmem:$0x1B0] =	vst v1  }
0x22: {  	[tilespmem:$0x1C0] =	vst v1  }
0x23: {  	[tilespmem:$0x1D0] =	vst v1  }
0x24: {  	[tilespmem:$0x1E0] =	vst v1  }
0x25: {  	[tilespmem:$0x1F0] =	vst v1  }
0x26: {  	[tilespmem:$0x200] =	vst v1  }
0x27: {  	[tilespmem:$0x210] =	vst v1  }
0x28: {  	[tilespmem:$0x220] =	vst v1  }
0x29: {  	[tilespmem:$0x230] =	vst v1  }
0x2a: {  	[tilespmem:$0x240] =	vst v1  }
0x2b: {  	[tilespmem:$0x250] =	vst v1  }
0x2c: {  	[tilespmem:$0x260] =	vst v1  }
0x2d: {  	[tilespmem:$0x270] =	vst v1  }
0x2e: {  	[tilespmem:$0x280] =	vst v1  }
0x2f: {  	[tilespmem:$0x290] =	vst v1  }
0x30: {  	[tilespmem:$0x2A0] =	vst v1  }
0x31: {  	[tilespmem:$0x2B0] =	vst v1  }
0x32: {  	[tilespmem:$0x2C0] =	vst v1  }
0x33: {  	[tilespmem:$0x2D0] =	vst v1  }
0x34: {  	[tilespmem:$0x2E0] =	vst v1  }
0x35: {  	[tilespmem:$0x2F0] =	vst v1  }
0x36: {  	[tilespmem:$0x300] =	vst v1  }
0x37: {  	[tilespmem:$0x310] =	vst v1  }
0x38: {  	[tilespmem:$0x320] =	vst v1  }
0x39: {  	[tilespmem:$0x330] =	vst v1  }
0x3a: {  	[tilespmem:$0x340] =	vst v1  }
0x3b: {  	[tilespmem:$0x350] =	vst v1  }
0x3c: {  	[tilespmem:$0x360] =	vst v1  }
0x3d: {  	[tilespmem:$0x370] =	vst v1  }
0x3e: {  	[spmem:s4] =	stream.linear.scatter [tilespmem:s8], [sflag:$0x1], $0x280, $0x38;
	[tilespmem:$0x600] =	vst v63  }
0x3f: {  	_ =	swait.ge [sflag:s9], $0x280  }
0x40: {  	[sflag:s9] =	ssyncset.done $0x0  }
0x41: {  	[sflag:s9] =	ssyncadd.s32 $0xFFFFFD80  }
0x42: {  	s16 =	sadd.s32 $0x0, s7;
	[bflag:$0x0] =	sbarrier.arrive $0xFFFF  }
0x43: {  	[tilespmem:s3], [sflag:$0x1] =	stream.linear.gather [hbm4b:s16+s3], $0x80, $0x38;
	[tilespmem:$0x600] =	vst v63  }
0x44: {  	_ =	swait.ge [sflag:s9], $0x80  }
0x45: {  	[sflag:s9] =	ssyncset.done $0x0  }
0x46: {  	[sflag:s9] =	ssyncadd.s32 $0xFFFFFF80  }
0x47: {  	[spmem:s2] =	stream.indirect.scatter.add.f32 [tilespmem:s10], [sflag:$0x1], $0x1, s3, s10, $0xb8;
	[tilespmem:$0x600] =	vst v63  }
0x48: {  	_ =	swait.ge [sflag:s9], $0x80  }
0x49: {  	s17 =	simm.s32 $0x20;
	s16 =	simm.s32 $0x10;
	[sflag:s9] =	ssyncset.done $0x0  }
.LBB2_2:
0x4a: {  	s18 =	sadd.s32 s16, s7  }
0x4b: {  	[sflag:s9] =	ssyncadd.s32 $0xFFFFFF80;
	s16 =	smov.u32 s17;
	s19 =	sadd.s32 $0x10, s17  }
0x4c: {  	[tilespmem:s3], [sflag:$0x1] =	stream.linear.gather [hbm4b:s18+s3], $0x80, $0x38;
	[tilespmem:$0x600] =	vst v63  }
0x4d: {  	p0 =	sne.s32 s17, $0x4F0;
	_ =	swait.ge [sflag:s9], $0x80  }
.Ltmp0:
0x4e: {  	[sflag:s9] =	ssyncset.done $0x0;
	(pc) =	sbr.rel @p0 .LBB2_2-.Ltmp0, $4  }
0x4f: {  	[sflag:s9] =	ssyncadd.s32 $0xFFFFFF80  }
0x50: {  	[spmem:s2] =	stream.indirect.scatter.add.f32 [tilespmem:s10], [sflag:$0x1], $0x1, s3, s10, $0xb8;
	[tilespmem:$0x600] =	vst v63  }
0x51: {  	_ =	swait.ge [sflag:s9], $0x80  }
0x52: {  	s17 =	smov.u32 s19;
	[sflag:s9] =	ssyncset.done $0x0  }
0x53: {  	s16 =	sadd.s32 s16, s7;
	[sflag:s9] =	ssyncadd.s32 $0xFFFFFF80  }
0x54: {  	[tilespmem:s3], [sflag:$0x1] =	stream.linear.gather [hbm4b:s16+s3], $0x80, $0x38;
	[tilespmem:$0x600] =	vst v63  }
0x55: {  	_ =	swait.ge [sflag:s9], $0x80  }
0x56: {  	[sflag:s9] =	ssyncset.done $0x0  }
0x57: {  	[sflag:s9] =	ssyncadd.s32 $0xFFFFFF80  }
0x58: {  	[spmem:s2] =	stream.indirect.scatter.add.f32 [tilespmem:s10], [sflag:$0x1], $0x1, s3, s10, $0xb8;
	[tilespmem:$0x600] =	vst v63  }
0x59: {  	_ =	swait.ge [sflag:s9], $0x80  }
0x5a: {  	s15 =	sadd.s32 $0x1, s15;
	[sflag:s9] =	ssyncset.done $0x0  }
0x5b: {  	p0 =	sne.s32 s15, s6;
	[sflag:s9] =	ssyncadd.s32 $0xFFFFFF80  }
.Ltmp1:
0x5c: {  	[bflag:$0x0] =	sbarrier.arrive $0xFFFF;
	(pc) =	sbr.rel @p0 .LBB2_1-.Ltmp1, $4  }
0x5d: {  	[hbm:s5@s13], [sflag:s11] =	dma.strided [spmem:s12@s14], $0x50, s9, $0x10   }
0x5e: {  	_ =	swait.ge [sflag:s9], $0x50  }
0x5f: {  	[sflag:s9] =	ssyncset.done $0x0  }
0x60: {  	[sflag:s9] =	ssyncadd.s32 $0xFFFFFFB0  }
0x61: {  	_ =	sfence.sel $0x180000  }
0x62: {  	[bflag:$0x0] =	sbarrier.arrive $0xFFFF  }
0x63: {  	p0 =	sne.s32 s0, $0x0;
	_ =	strace $0x90000047  }
0x64: {  	s0 =	sadd.s32 @!p0 $0x100000, s1;
	[bflag:$0x2] =	sbarrier.arrive $0xFFFF  }
0x65: {  	[sflag:s0] =	ssyncadd.tile.s32 @!p0 $0x1;
	_ =	shalt  }
.Lfunc_end2:
_tile_overlayer_lowered:
.L_overlay_start_2:
0x66: {  	(tag) =	ssettag $0x2  }
0x67: {  	s0 =	rddreg [dreg:$0x0];
	s2 =	stileid.u32  }
0x68: {  	s1 =	rddreg [dreg:$0x1];
	p0 =	sne.s32 s2, $0x0  }
0x69: {  	s3 =	rddreg [dreg:$0x2];
	[bflag:$0x3] =	sbarrier.arrive $0xFFFF;
	s2 =	simm.s32 @!p0 $0x1C01  }
0x6a: {  	[timem:s3], [sflag:s2] =	dma.local @!p0 [hbm:s0], s1  }
0x6b: {  	s0 =	simm.s32 @!p0 $0x1  }
0x6c: {  	_ =	swait.ge @!p0 [sflag:s0], s1  }
0x6d: {  	s1 =	ssub.s32 @!p0 $0x0, s1;
	[sflag:s0] =	ssyncset.done @!p0 $0x0  }
0x6e: {  	[sflag:s0] =	ssyncadd.s32 @!p0 s1  }
0x6f: {  	[bflag:$0x3] =	sbarrier.arrive $0xFFFF  }
0x70: {  	_ =	shalt  }

</sc_bundles>
